<compile_context>
chip_gen: v7x
topology: tpu7x:2x2x1
jax: 0.10.2.dev20260603
libtpu: 0.0.44.dev20260713+nightly
codegen_flags: <defaults>
</compile_context>

<pallas_src>
import functools

import jax
import jax.numpy as jnp
import numpy as np
from jax import lax
from jax.experimental import pallas as pl
from jax.experimental.pallas import tpu as pltpu
from jax.experimental.pallas import tpu_sc as plsc

N = 10000
E = 320000
D_IN = 128
D = 64
ROW = 80
T2W = 16

NCORES = 2
NSUB = 16
NW = NCORES * NSUB
B = 80
EPW = E // NW
NCH = EPW // B
NP = 10240
RPS = NP // NSUB


def _make_edge_kernel(dh):
    mesh = plsc.VectorSubcoreMesh(core_axis_name="c", subcore_axis_name="s")

    @functools.partial(
        pl.kernel,
        out_type=jax.ShapeDtypeStruct((NCORES, NP, ROW), jnp.float32),
        mesh=mesh,
        scratch_types=[
            pltpu.VMEM((NCH, B), jnp.int32),
            pltpu.VMEM((NCH, B), jnp.int32),
            pltpu.VMEM((B, ROW), jnp.float32),
            pltpu.VMEM((B, ROW), jnp.float32),
            pltpu.VMEM((B, T2W), jnp.float32),
            pltpu.VMEM((B, T2W), jnp.float32),
            pltpu.VMEM((B, ROW), jnp.float32),
            pltpu.VMEM((B, ROW), jnp.float32),
            pltpu.VMEM_SHARED((NP, ROW), jnp.float32),
            pltpu.SemaphoreType.DMA,
            pltpu.SemaphoreType.DMA,
            pltpu.SemaphoreType.DMA,
            pltpu.SemaphoreType.DMA,
            pltpu.SemaphoreType.DMA,
            pltpu.SemaphoreType.DMA,
        ],
        compiler_params=pltpu.CompilerParams(use_tc_tiling_on_sc=False,
                                             needs_layout_passes=False),
    )
    def edge_kernel(t1_hbm, t2_hbm, src_hbm, dst_hbm, zeros_hbm, out_hbm,
                    src_v, dst_v, t1r0, t1r1, t2r0, t2r1, outr0, outr1,
                    acc, g1s0, g1s1, g2s0, g2s1, scs0, scs1):
        c = lax.axis_index("c")
        s = lax.axis_index("s")
        w = c * NSUB + s
        t1r = (t1r0, t1r1)
        t2r = (t2r0, t2r1)
        outr = (outr0, outr1)
        g1s = (g1s0, g1s1)
        g2s = (g2s0, g2s1)
        scs = (scs0, scs1)

        pltpu.sync_copy(zeros_hbm.at[pl.ds(s * RPS, RPS)],
                        acc.at[pl.ds(s * RPS, RPS)])
        pltpu.sync_copy(src_hbm.at[pl.ds(w * NCH, NCH)], src_v)
        pltpu.sync_copy(dst_hbm.at[pl.ds(w * NCH, NCH)], dst_v)
        plsc.subcore_barrier()

        idxs = [(lax.iota(jnp.int32, 16) + 16 * k) // dh for k in range(4)]

        pltpu.async_copy(t1_hbm.at[src_v.at[0]], t1r[0], g1s[0])
        pltpu.async_copy(t2_hbm.at[dst_v.at[0]], t2r[0], g2s[0])

        def pair(i, carry):
            for b in (0, 1):
                qq = 2 * i + b

                @pl.when(qq < NCH)
                def _():
                    @pl.when(qq + 1 < NCH)
                    def _():
                        nb = 1 - b
                        pltpu.async_copy(t1_hbm.at[src_v.at[qq + 1]],
                                         t1r[nb], g1s[nb])
                        pltpu.async_copy(t2_hbm.at[dst_v.at[qq + 1]],
                                         t2r[nb], g2s[nb])

                    pltpu.make_async_copy(t1_hbm.at[src_v.at[qq]],
                                          t1r[b], g1s[b]).wait()
                    pltpu.make_async_copy(t2_hbm.at[dst_v.at[qq]],
                                          t2r[b], g2s[b]).wait()
                    @pl.when(qq >= 2)
                    def _():
                        pltpu.make_async_copy(outr[b], acc.at[dst_v.at[qq]],
                                              scs[b]).wait()

                    def edge(e, carry2):
                        a = t1r[b][e, pl.ds(64, 16)]
                        bb = t2r[b][e, :]
                        sE = a + bb
                        wv = jnp.exp(jnp.maximum(sE, 0.2 * sE))
                        for k in range(4):
                            wexp = jnp.take_along_axis(wv, idxs[k], axis=0)
                            outr[b][e, pl.ds(16 * k, 16)] = (
                                t1r[b][e, pl.ds(16 * k, 16)] * wexp)
                        outr[b][e, pl.ds(64, 16)] = wv
                        return carry2

                    lax.fori_loop(0, B, edge, 0)
                    pltpu.async_copy(outr[b], acc.at[dst_v.at[qq]], scs[b],
                                     add=True)

            return carry

        lax.fori_loop(0, (NCH + 2) // 2, pair, 0)
        pltpu.make_async_copy(outr[0], acc.at[dst_v.at[0]], scs[0]).wait()
        pltpu.make_async_copy(outr[1], acc.at[dst_v.at[1]], scs[1]).wait()
        plsc.subcore_barrier()
        pltpu.sync_copy(acc.at[pl.ds(s * RPS, RPS)],
                        out_hbm.at[c, pl.ds(s * RPS, RPS)])

    return edge_kernel


_edge_l1 = _make_edge_kernel(8)
_edge_l2 = _make_edge_kernel(64)


_BLK = 1000
_GRID = N // _BLK


def _prep(h, W_ref, A_ref, Eexp_ref, t1_ref, t2_ref, sacc_ref):
    hw = jnp.dot(h, W_ref[...], preferred_element_type=jnp.float32)
    AD = jnp.dot(hw, A_ref[...], preferred_element_type=jnp.float32)
    asrc = AD[:, 0:8]
    adst = AD[:, 8:16]
    sE = asrc + adst
    wself = jnp.exp(jnp.maximum(sE, 0.2 * sE))
    wexp = jnp.dot(wself, Eexp_ref[...], preferred_element_type=jnp.float32)
    z8 = jnp.zeros((h.shape[0], 8), jnp.float32)
    t1_ref[...] = jnp.concatenate([hw, asrc, z8], axis=1)
    t2_ref[...] = jnp.concatenate([adst, z8], axis=1)
    sacc_ref[...] = jnp.concatenate([hw * wexp, wself, z8], axis=1)


def _prep1_body(x_ref, W_ref, A_ref, Eexp_ref, t1_ref, t2_ref, sacc_ref):
    _prep(x_ref[...], W_ref, A_ref, Eexp_ref, t1_ref, t2_ref, sacc_ref)


def _mid_body(accs_ref, sacc1_ref, b1_ref, W2_ref, A2_ref, E1_ref, E2_ref,
              t1_ref, t2_ref, sacc2_ref):
    acc = accs_ref[0] + accs_ref[1] + sacc1_ref[...]
    denom = jnp.dot(acc[:, 64:72], E1_ref[...],
                    preferred_element_type=jnp.float32) + 1e-16
    h1 = acc[:, 0:64] / denom + b1_ref[...]
    h1 = jnp.where(h1 > 0, h1, jnp.exp(h1) - 1.0)
    _prep(h1, W2_ref, A2_ref, E2_ref, t1_ref, t2_ref, sacc2_ref)


def _final_body(accs_ref, sacc2_ref, b2_ref, E2_ref, o_ref):
    acc = accs_ref[0] + accs_ref[1] + sacc2_ref[...]
    denom = jnp.dot(acc[:, 64:72], E2_ref[...],
                    preferred_element_type=jnp.float32) + 1e-16
    o = acc[:, 0:64] / denom + b2_ref[...]
    m = jnp.max(o, axis=1, keepdims=True)
    sh = o - m
    lse = jnp.log(jnp.sum(jnp.exp(sh), axis=1, keepdims=True))
    o_ref[...] = sh - lse


def _row_spec(cols):
    return pl.BlockSpec((_BLK, cols), lambda i: (i, 0))


def _full_spec(shape):
    return pl.BlockSpec(shape, lambda i: tuple(0 for _ in shape))


_prep1_call = pl.pallas_call(
    _prep1_body,
    grid=(_GRID,),
    in_specs=[_row_spec(D_IN), _full_spec((D_IN, D)), _full_spec((D, 16)),
              _full_spec((8, D))],
    out_specs=[_row_spec(ROW), _row_spec(T2W), _row_spec(ROW)],
    out_shape=[jax.ShapeDtypeStruct((N, ROW), jnp.float32),
               jax.ShapeDtypeStruct((N, T2W), jnp.float32),
               jax.ShapeDtypeStruct((N, ROW), jnp.float32)],
)

_mid_call = pl.pallas_call(
    _mid_body,
    grid=(_GRID,),
    in_specs=[pl.BlockSpec((NCORES, _BLK, ROW), lambda i: (0, i, 0)),
              _row_spec(ROW), _full_spec((1, D)), _full_spec((D, D)),
              _full_spec((D, 16)), _full_spec((8, D)), _full_spec((8, D))],
    out_specs=[_row_spec(ROW), _row_spec(T2W), _row_spec(ROW)],
    out_shape=[jax.ShapeDtypeStruct((N, ROW), jnp.float32),
               jax.ShapeDtypeStruct((N, T2W), jnp.float32),
               jax.ShapeDtypeStruct((N, ROW), jnp.float32)],
)

_final_call = pl.pallas_call(
    _final_body,
    grid=(_GRID,),
    in_specs=[pl.BlockSpec((NCORES, _BLK, ROW), lambda i: (0, i, 0)),
              _row_spec(ROW), _full_spec((1, D)), _full_spec((8, D))],
    out_specs=_row_spec(D),
    out_shape=jax.ShapeDtypeStruct((N, D), jnp.float32),
)


def _pack_a(a, dh):
    v = a.reshape(D)
    mask = (jnp.arange(D)[:, None] // dh) == jnp.arange(8)[None, :]
    return jnp.where(mask, v[:, None], 0.0).astype(jnp.float32)


def _expand_mat(dh):
    m = (np.arange(8)[:, None] == (np.arange(D)[None, :] // dh))
    return jnp.asarray(m, dtype=jnp.float32)


def kernel(x, edge_index, W1, a_src1, a_dst1, b1, W2, a_src2, a_dst2, b2):
    src = edge_index[0].reshape(E // B, B)
    dst = edge_index[1].reshape(E // B, B)
    A1 = jnp.concatenate([_pack_a(a_src1, 8), _pack_a(a_dst1, 8)], axis=1)
    A2 = jnp.concatenate([_pack_a(a_src2, 64), _pack_a(a_dst2, 64)], axis=1)
    E1 = _expand_mat(8)
    E2 = _expand_mat(64)
    zeros = jnp.zeros((NP, ROW), jnp.float32)

    t1a, t2a, sacc1 = _prep1_call(x, W1, A1, E1)
    acc1 = _edge_l1(t1a, t2a, src, dst, zeros)
    t1b, t2b, sacc2 = _mid_call(acc1, sacc1, b1.reshape(1, D), W2, A2, E1, E2)
    acc2 = _edge_l2(t1b, t2b, src, dst, zeros)
    return _final_call(acc2, sacc2, b2.reshape(1, D), E2)

# --- scband reference (transcript-rebuilt; emitter-appended) ---
"""Pipeline reference for scband-gatnet-36627481101157 (READ-ONLY COPY).

The authoritative reference and input builder live on the scoring server;
editing this copy changes nothing except your own understanding.
"""

import jax, jax.numpy as jnp
import numpy as np

N = 10000
E = 320000
D_IN = 128
H1, D1 = 8, 8
H2, D2 = 1, 64


def setup_inputs(seed: int = 0) -> dict:
    key = jax.random.key(seed)
    ks = jax.random.split(key, 12)
    x = jax.random.normal(ks[0], (N, D_IN), dtype=jnp.float32)
    edge_index = jax.random.randint(ks[1], (2, E), 0, N, dtype=jnp.int32)
    s1 = 1.0 / np.sqrt(D_IN)
    s2 = 1.0 / np.sqrt(H1 * D1)
    W1 = jax.random.normal(ks[2], (D_IN, H1 * D1), dtype=jnp.float32) * s1
    a_src1 = jax.random.normal(ks[3], (H1, D1), dtype=jnp.float32) * s1
    a_dst1 = jax.random.normal(ks[4], (H1, D1), dtype=jnp.float32) * s1
    b1 = jnp.zeros((H1 * D1,), dtype=jnp.float32)
    W2 = jax.random.normal(ks[5], (H1 * D1, H2 * D2), dtype=jnp.float32) * s2
    a_src2 = jax.random.normal(ks[6], (H2, D2), dtype=jnp.float32) * s2
    a_dst2 = jax.random.normal(ks[7], (H2, D2), dtype=jnp.float32) * s2
    b2 = jnp.zeros((H2 * D2,), dtype=jnp.float32)
    return {"x": x, "edge_index": edge_index, "W1": W1, "a_src1": a_src1,
            "a_dst1": a_dst1, "b1": b1, "W2": W2, "a_src2": a_src2,
            "a_dst2": a_dst2, "b2": b2}


def gat_conv(x, src, dst, W, a_src, a_dst, bias, heads, d_head, n_nodes):
    # PyG-style GATConv (eval mode: dropout is identity), add_self_loops=True
    h = (x @ W).reshape(n_nodes, heads, d_head)              # [N, H, D]
    alpha_src = (h * a_src[None, :, :]).sum(-1)              # [N, H]
    alpha_dst = (h * a_dst[None, :, :]).sum(-1)              # [N, H]
    e = alpha_src[src] + alpha_dst[dst]                      # [E, H]
    e = jax.nn.leaky_relu(e, negative_slope=0.2)
    # softmax over incoming edges of each dst node
    e_max = jax.ops.segment_max(e, dst, num_segments=n_nodes)    # [N, H]
    e_max = jnp.where(jnp.isfinite(e_max), e_max, 0.0)
    ex = jnp.exp(e - e_max[dst])                             # [E, H]
    denom = jax.ops.segment_sum(ex, dst, num_segments=n_nodes)   # [N, H]
    alpha = ex / (denom[dst] + 1e-16)                        # [E, H]
    msg = h[src] * alpha[:, :, None]                         # [E, H, D]
    out = jax.ops.segment_sum(msg, dst, num_segments=n_nodes)    # [N, H, D]
    return out.reshape(n_nodes, heads * d_head) + bias


def reference(x, edge_index, W1, a_src1, a_dst1, b1, W2, a_src2, a_dst2, b2):
    src, dst = edge_index[0], edge_index[1]
    loops = jnp.arange(N, dtype=src.dtype)
    src = jnp.concatenate([src, loops])
    dst = jnp.concatenate([dst, loops])
    # dropout(p=0.6) is identity in eval mode
    h = gat_conv(x, src, dst, W1, a_src1, a_dst1, b1, H1, D1, N)
    h = jax.nn.elu(h)
    h = gat_conv(h, src, dst, W2, a_src2, a_dst2, b2, H2, D2, N)
    return jax.nn.log_softmax(h, axis=1)

if __name__ == "__main__":
    import jax
    _d = setup_inputs()
    print(jax.jit(kernel)(*tuple(_d.values())))

</pallas_src>

<mosaic_0001>
#map = affine_map<(d0, d1) -> (0, 0)>
#map1 = affine_map<(d0, d1) -> (0, 0, 0)>
module attributes {stable_mosaic.version = 14 : i64} {
  func.func @edge_kernel(%arg0: i32, %arg1: i32, %arg2: memref<10000x80xf32, #tpu.memory_space<hbm>>, %arg3: memref<10000x16xf32, #tpu.memory_space<hbm>>, %arg4: memref<4000x80xi32, #tpu.memory_space<hbm>>, %arg5: memref<4000x80xi32, #tpu.memory_space<hbm>>, %arg6: memref<10240x80xf32, #tpu.memory_space<hbm>>, %arg7: memref<2x10240x80xf32, #tpu.memory_space<hbm>>, %arg8: memref<125x80xi32, #tpu.memory_space<vmem>>, %arg9: memref<125x80xi32, #tpu.memory_space<vmem>>, %arg10: memref<80x80xf32, #tpu.memory_space<vmem>>, %arg11: memref<80x80xf32, #tpu.memory_space<vmem>>, %arg12: memref<80x16xf32, #tpu.memory_space<vmem>>, %arg13: memref<80x16xf32, #tpu.memory_space<vmem>>, %arg14: memref<80x80xf32, #tpu.memory_space<vmem>>, %arg15: memref<80x80xf32, #tpu.memory_space<vmem>>, %arg16: memref<10240x80xf32, #tpu.memory_space<vmem_shared>>, %arg17: memref<!tpu.dma_semaphore, #tpu.memory_space<semaphore_mem>>, %arg18: memref<!tpu.dma_semaphore, #tpu.memory_space<semaphore_mem>>, %arg19: memref<!tpu.dma_semaphore, #tpu.memory_space<semaphore_mem>>, %arg20: memref<!tpu.dma_semaphore, #tpu.memory_space<semaphore_mem>>, %arg21: memref<!tpu.dma_semaphore, #tpu.memory_space<semaphore_mem>>, %arg22: memref<!tpu.dma_semaphore, #tpu.memory_space<semaphore_mem>>) attributes {dimension_semantics = [#tpu.dimension_semantics<core_parallel>, #tpu.dimension_semantics<subcore_parallel>], iteration_bounds = array<i64: 2, 16>, scalar_prefetch = 0 : i64, scratch_operands = 15 : i64, tpu.core_type = #tpu.core_type<sc_vector_subcore>, window_params = [{transform_indices = #map}, {transform_indices = #map}, {transform_indices = #map}, {transform_indices = #map}, {transform_indices = #map}, {transform_indices = #map1}]} {
    %mul3A = arith.constant 16 : i32
    %mul3A_0 = arith.muli %arg0, %mul3A : i32
    %add3A = arith.addi %mul3A_0, %arg1 : i32
    %mul3A_1 = arith.constant 640 : i32
    %mul3A_2 = arith.muli %arg1, %mul3A_1 : i32
    %mul3A_3 = arith.constant 640 : i32
    %mul3A_4 = arith.muli %arg1, %mul3A_3 : i32
    "tpu.region"() ({
      %run_scoped3A = tpu.sem_alloc : memref<!tpu.dma_semaphore, #tpu.memory_space<semaphore_mem>>
      %dma_start3A_176 = arith.constant 0 : i32
      %dma_start3A_177 = tpu.memref_slice %arg16[%mul3A_4, %dma_start3A_176] : memref<10240x80xf32, #tpu.memory_space<vmem_shared>> -> memref<640x80xf32, #tpu.memory_space<vmem_shared>>
      %dma_start3A_178 = arith.constant 0 : i32
      %dma_start3A_179 = tpu.memref_slice %arg6[%mul3A_2, %dma_start3A_178] : memref<10240x80xf32, #tpu.memory_space<hbm>> -> memref<640x80xf32, #tpu.memory_space<hbm>>
      tpu.enqueue_dma source(%dma_start3A_179 : memref<640x80xf32, #tpu.memory_space<hbm>>) target(%dma_start3A_177 : memref<640x80xf32, #tpu.memory_space<vmem_shared>>) target_semaphore(%run_scoped3A : memref<!tpu.dma_semaphore, #tpu.memory_space<semaphore_mem>>)
      %dma_wait3A_180 = arith.constant 0 : i32
      %dma_wait3A_181 = tpu.memref_slice %arg16[%mul3A_4, %dma_wait3A_180] : memref<10240x80xf32, #tpu.memory_space<vmem_shared>> -> memref<640x80xf32, #tpu.memory_space<vmem_shared>>
      %dma_wait3A_182 = arith.constant 0 : i32
      %dma_wait3A_183 = tpu.memref_slice %arg6[%mul3A_2, %dma_wait3A_182] : memref<10240x80xf32, #tpu.memory_space<hbm>> -> memref<640x80xf32, #tpu.memory_space<hbm>>
      tpu.wait_dma2 semaphore(%run_scoped3A : memref<!tpu.dma_semaphore, #tpu.memory_space<semaphore_mem>>) src(%dma_wait3A_183 : memref<640x80xf32, #tpu.memory_space<hbm>>) dst(%dma_wait3A_181 : memref<640x80xf32, #tpu.memory_space<vmem_shared>>)
      tpu.yield
    }) : () -> ()
    %mul3A_5 = arith.constant 125 : i32
    %mul3A_6 = arith.muli %add3A, %mul3A_5 : i32
    "tpu.region"() ({
      %run_scoped3A = tpu.sem_alloc : memref<!tpu.dma_semaphore, #tpu.memory_space<semaphore_mem>>
      %dma_start3A_176 = arith.constant 0 : i32
      %dma_start3A_177 = tpu.memref_slice %arg4[%mul3A_6, %dma_start3A_176] : memref<4000x80xi32, #tpu.memory_space<hbm>> -> memref<125x80xi32, #tpu.memory_space<hbm>>
      %dma_start3A_178 = arith.constant 0 : i32
      %dma_start3A_179 = tpu.memref_slice %arg4[%mul3A_6, %dma_start3A_178] : memref<4000x80xi32, #tpu.memory_space<hbm>> -> memref<125x80xi32, #tpu.memory_space<hbm>>
      tpu.enqueue_dma source(%dma_start3A_179 : memref<125x80xi32, #tpu.memory_space<hbm>>) target(%arg8 : memref<125x80xi32, #tpu.memory_space<vmem>>) target_semaphore(%run_scoped3A : memref<!tpu.dma_semaphore, #tpu.memory_space<semaphore_mem>>)
      %dma_wait3A_180 = arith.constant 0 : i32
      %dma_wait3A_181 = tpu.memref_slice %arg4[%mul3A_6, %dma_wait3A_180] : memref<4000x80xi32, #tpu.memory_space<hbm>> -> memref<125x80xi32, #tpu.memory_space<hbm>>
      %dma_wait3A_182 = arith.constant 0 : i32
      %dma_wait3A_183 = tpu.memref_slice %arg4[%mul3A_6, %dma_wait3A_182] : memref<4000x80xi32, #tpu.memory_space<hbm>> -> memref<125x80xi32, #tpu.memory_space<hbm>>
      tpu.wait_dma2 semaphore(%run_scoped3A : memref<!tpu.dma_semaphore, #tpu.memory_space<semaphore_mem>>) src(%dma_wait3A_183 : memref<125x80xi32, #tpu.memory_space<hbm>>) dst(%arg8 : memref<125x80xi32, #tpu.memory_space<vmem>>)
      tpu.yield
    }) : () -> ()
    %mul3A_7 = arith.constant 125 : i32
    %mul3A_8 = arith.muli %add3A, %mul3A_7 : i32
    "tpu.region"() ({
      %run_scoped3A = tpu.sem_alloc : memref<!tpu.dma_semaphore, #tpu.memory_space<semaphore_mem>>
      %dma_start3A_176 = arith.constant 0 : i32
      %dma_start3A_177 = tpu.memref_slice %arg5[%mul3A_8, %dma_start3A_176] : memref<4000x80xi32, #tpu.memory_space<hbm>> -> memref<125x80xi32, #tpu.memory_space<hbm>>
      %dma_start3A_178 = arith.constant 0 : i32
      %dma_start3A_179 = tpu.memref_slice %arg5[%mul3A_8, %dma_start3A_178] : memref<4000x80xi32, #tpu.memory_space<hbm>> -> memref<125x80xi32, #tpu.memory_space<hbm>>
      tpu.enqueue_dma source(%dma_start3A_179 : memref<125x80xi32, #tpu.memory_space<hbm>>) target(%arg9 : memref<125x80xi32, #tpu.memory_space<vmem>>) target_semaphore(%run_scoped3A : memref<!tpu.dma_semaphore, #tpu.memory_space<semaphore_mem>>)
      %dma_wait3A_180 = arith.constant 0 : i32
      %dma_wait3A_181 = tpu.memref_slice %arg5[%mul3A_8, %dma_wait3A_180] : memref<4000x80xi32, #tpu.memory_space<hbm>> -> memref<125x80xi32, #tpu.memory_space<hbm>>
      %dma_wait3A_182 = arith.constant 0 : i32
      %dma_wait3A_183 = tpu.memref_slice %arg5[%mul3A_8, %dma_wait3A_182] : memref<4000x80xi32, #tpu.memory_space<hbm>> -> memref<125x80xi32, #tpu.memory_space<hbm>>
      tpu.wait_dma2 semaphore(%run_scoped3A : memref<!tpu.dma_semaphore, #tpu.memory_space<semaphore_mem>>) src(%dma_wait3A_183 : memref<125x80xi32, #tpu.memory_space<hbm>>) dst(%arg9 : memref<125x80xi32, #tpu.memory_space<vmem>>)
      tpu.yield
    }) : () -> ()
    %barrier3A = arith.constant 0 : index
    tpu.barrier barrier_id(%barrier3A)
    %iota3A = tpu.iota {dimensions = array<i32: 0>} : vector<16xi32>
    %add3A_9 = arith.constant 0 : i32
    %add3A_10 = vector.broadcast %add3A_9 : i32 to vector<16xi32>
    %add3A_11 = arith.addi %iota3A, %add3A_10 : vector<16xi32>
    %jit3A = arith.constant 8 : i32
    %div3A = vector.broadcast %jit3A : i32 to vector<16xi32>
    %div3A_12 = arith.divsi %add3A_11, %div3A : vector<16xi32>
    %sign3A = arith.constant 0 : i32
    %sign3A_13 = vector.broadcast %sign3A : i32 to vector<16xi32>
    %sign3A_14 = arith.cmpi sgt, %add3A_11, %sign3A_13 : vector<16xi32>
    %sign3A_15 = arith.extui %sign3A_14 : vector<16xi1> to vector<16xi32>
    %sign3A_16 = arith.constant 0 : i32
    %sign3A_17 = vector.broadcast %sign3A_16 : i32 to vector<16xi32>
    %sign3A_18 = arith.cmpi slt, %add3A_11, %sign3A_17 : vector<16xi32>
    %sign3A_19 = arith.extui %sign3A_18 : vector<16xi1> to vector<16xi32>
    %sign3A_20 = arith.subi %sign3A_15, %sign3A_19 : vector<16xi32>
    %sign3A_21 = arith.constant 0 : i32
    %sign3A_22 = arith.cmpi sgt, %jit3A, %sign3A_21 : i32
    %sign3A_23 = arith.extui %sign3A_22 : i1 to i32
    %sign3A_24 = arith.constant 0 : i32
    %sign3A_25 = arith.cmpi slt, %jit3A, %sign3A_24 : i32
    %sign3A_26 = arith.extui %sign3A_25 : i1 to i32
    %sign3A_27 = arith.subi %sign3A_23, %sign3A_26 : i32
    %ne3A = vector.broadcast %sign3A_27 : i32 to vector<16xi32>
    %ne3A_28 = arith.cmpi ne, %sign3A_20, %ne3A : vector<16xi32>
    %rem3A = vector.broadcast %jit3A : i32 to vector<16xi32>
    %rem3A_29 = arith.remsi %add3A_11, %rem3A : vector<16xi32>
    %ne3A_30 = arith.constant 0 : i32
    %ne3A_31 = vector.broadcast %ne3A_30 : i32 to vector<16xi32>
    %ne3A_32 = arith.cmpi ne, %rem3A_29, %ne3A_31 : vector<16xi32>
    %and3A = arith.andi %ne3A_28, %ne3A_32 : vector<16xi1>
    %sub3A = arith.constant 1 : i32
    %sub3A_33 = vector.broadcast %sub3A : i32 to vector<16xi32>
    %sub3A_34 = arith.subi %div3A_12, %sub3A_33 : vector<16xi32>
    %select_n3A = arith.select %and3A, %sub3A_34, %div3A_12 : vector<16xi1>, vector<16xi32>
    %iota3A_35 = tpu.iota {dimensions = array<i32: 0>} : vector<16xi32>
    %add3A_36 = arith.constant 16 : i32
    %add3A_37 = vector.broadcast %add3A_36 : i32 to vector<16xi32>
    %add3A_38 = arith.addi %iota3A_35, %add3A_37 : vector<16xi32>
    %jit3A_39 = arith.constant 8 : i32
    %div3A_40 = vector.broadcast %jit3A_39 : i32 to vector<16xi32>
    %div3A_41 = arith.divsi %add3A_38, %div3A_40 : vector<16xi32>
    %sign3A_42 = arith.constant 0 : i32
    %sign3A_43 = vector.broadcast %sign3A_42 : i32 to vector<16xi32>
    %sign3A_44 = arith.cmpi sgt, %add3A_38, %sign3A_43 : vector<16xi32>
    %sign3A_45 = arith.extui %sign3A_44 : vector<16xi1> to vector<16xi32>
    %sign3A_46 = arith.constant 0 : i32
    %sign3A_47 = vector.broadcast %sign3A_46 : i32 to vector<16xi32>
    %sign3A_48 = arith.cmpi slt, %add3A_38, %sign3A_47 : vector<16xi32>
    %sign3A_49 = arith.extui %sign3A_48 : vector<16xi1> to vector<16xi32>
    %sign3A_50 = arith.subi %sign3A_45, %sign3A_49 : vector<16xi32>
    %sign3A_51 = arith.constant 0 : i32
    %sign3A_52 = arith.cmpi sgt, %jit3A_39, %sign3A_51 : i32
    %sign3A_53 = arith.extui %sign3A_52 : i1 to i32
    %sign3A_54 = arith.constant 0 : i32
    %sign3A_55 = arith.cmpi slt, %jit3A_39, %sign3A_54 : i32
    %sign3A_56 = arith.extui %sign3A_55 : i1 to i32
    %sign3A_57 = arith.subi %sign3A_53, %sign3A_56 : i32
    %ne3A_58 = vector.broadcast %sign3A_57 : i32 to vector<16xi32>
    %ne3A_59 = arith.cmpi ne, %sign3A_50, %ne3A_58 : vector<16xi32>
    %rem3A_60 = vector.broadcast %jit3A_39 : i32 to vector<16xi32>
    %rem3A_61 = arith.remsi %add3A_38, %rem3A_60 : vector<16xi32>
    %ne3A_62 = arith.constant 0 : i32
    %ne3A_63 = vector.broadcast %ne3A_62 : i32 to vector<16xi32>
    %ne3A_64 = arith.cmpi ne, %rem3A_61, %ne3A_63 : vector<16xi32>
    %and3A_65 = arith.andi %ne3A_59, %ne3A_64 : vector<16xi1>
    %sub3A_66 = arith.constant 1 : i32
    %sub3A_67 = vector.broadcast %sub3A_66 : i32 to vector<16xi32>
    %sub3A_68 = arith.subi %div3A_41, %sub3A_67 : vector<16xi32>
    %select_n3A_69 = arith.select %and3A_65, %sub3A_68, %div3A_41 : vector<16xi1>, vector<16xi32>
    %iota3A_70 = tpu.iota {dimensions = array<i32: 0>} : vector<16xi32>
    %add3A_71 = arith.constant 32 : i32
    %add3A_72 = vector.broadcast %add3A_71 : i32 to vector<16xi32>
    %add3A_73 = arith.addi %iota3A_70, %add3A_72 : vector<16xi32>
    %jit3A_74 = arith.constant 8 : i32
    %div3A_75 = vector.broadcast %jit3A_74 : i32 to vector<16xi32>
    %div3A_76 = arith.divsi %add3A_73, %div3A_75 : vector<16xi32>
    %sign3A_77 = arith.constant 0 : i32
    %sign3A_78 = vector.broadcast %sign3A_77 : i32 to vector<16xi32>
    %sign3A_79 = arith.cmpi sgt, %add3A_73, %sign3A_78 : vector<16xi32>
    %sign3A_80 = arith.extui %sign3A_79 : vector<16xi1> to vector<16xi32>
    %sign3A_81 = arith.constant 0 : i32
    %sign3A_82 = vector.broadcast %sign3A_81 : i32 to vector<16xi32>
    %sign3A_83 = arith.cmpi slt, %add3A_73, %sign3A_82 : vector<16xi32>
    %sign3A_84 = arith.extui %sign3A_83 : vector<16xi1> to vector<16xi32>
    %sign3A_85 = arith.subi %sign3A_80, %sign3A_84 : vector<16xi32>
    %sign3A_86 = arith.constant 0 : i32
    %sign3A_87 = arith.cmpi sgt, %jit3A_74, %sign3A_86 : i32
    %sign3A_88 = arith.extui %sign3A_87 : i1 to i32
    %sign3A_89 = arith.constant 0 : i32
    %sign3A_90 = arith.cmpi slt, %jit3A_74, %sign3A_89 : i32
    %sign3A_91 = arith.extui %sign3A_90 : i1 to i32
    %sign3A_92 = arith.subi %sign3A_88, %sign3A_91 : i32
    %ne3A_93 = vector.broadcast %sign3A_92 : i32 to vector<16xi32>
    %ne3A_94 = arith.cmpi ne, %sign3A_85, %ne3A_93 : vector<16xi32>
    %rem3A_95 = vector.broadcast %jit3A_74 : i32 to vector<16xi32>
    %rem3A_96 = arith.remsi %add3A_73, %rem3A_95 : vector<16xi32>
    %ne3A_97 = arith.constant 0 : i32
    %ne3A_98 = vector.broadcast %ne3A_97 : i32 to vector<16xi32>
    %ne3A_99 = arith.cmpi ne, %rem3A_96, %ne3A_98 : vector<16xi32>
    %and3A_100 = arith.andi %ne3A_94, %ne3A_99 : vector<16xi1>
    %sub3A_101 = arith.constant 1 : i32
    %sub3A_102 = vector.broadcast %sub3A_101 : i32 to vector<16xi32>
    %sub3A_103 = arith.subi %div3A_76, %sub3A_102 : vector<16xi32>
    %select_n3A_104 = arith.select %and3A_100, %sub3A_103, %div3A_76 : vector<16xi1>, vector<16xi32>
    %iota3A_105 = tpu.iota {dimensions = array<i32: 0>} : vector<16xi32>
    %add3A_106 = arith.constant 48 : i32
    %add3A_107 = vector.broadcast %add3A_106 : i32 to vector<16xi32>
    %add3A_108 = arith.addi %iota3A_105, %add3A_107 : vector<16xi32>
    %jit3A_109 = arith.constant 8 : i32
    %div3A_110 = vector.broadcast %jit3A_109 : i32 to vector<16xi32>
    %div3A_111 = arith.divsi %add3A_108, %div3A_110 : vector<16xi32>
    %sign3A_112 = arith.constant 0 : i32
    %sign3A_113 = vector.broadcast %sign3A_112 : i32 to vector<16xi32>
    %sign3A_114 = arith.cmpi sgt, %add3A_108, %sign3A_113 : vector<16xi32>
    %sign3A_115 = arith.extui %sign3A_114 : vector<16xi1> to vector<16xi32>
    %sign3A_116 = arith.constant 0 : i32
    %sign3A_117 = vector.broadcast %sign3A_116 : i32 to vector<16xi32>
    %sign3A_118 = arith.cmpi slt, %add3A_108, %sign3A_117 : vector<16xi32>
    %sign3A_119 = arith.extui %sign3A_118 : vector<16xi1> to vector<16xi32>
    %sign3A_120 = arith.subi %sign3A_115, %sign3A_119 : vector<16xi32>
    %sign3A_121 = arith.constant 0 : i32
    %sign3A_122 = arith.cmpi sgt, %jit3A_109, %sign3A_121 : i32
    %sign3A_123 = arith.extui %sign3A_122 : i1 to i32
    %sign3A_124 = arith.constant 0 : i32
    %sign3A_125 = arith.cmpi slt, %jit3A_109, %sign3A_124 : i32
    %sign3A_126 = arith.extui %sign3A_125 : i1 to i32
    %sign3A_127 = arith.subi %sign3A_123, %sign3A_126 : i32
    %ne3A_128 = vector.broadcast %sign3A_127 : i32 to vector<16xi32>
    %ne3A_129 = arith.cmpi ne, %sign3A_120, %ne3A_128 : vector<16xi32>
    %rem3A_130 = vector.broadcast %jit3A_109 : i32 to vector<16xi32>
    %rem3A_131 = arith.remsi %add3A_108, %rem3A_130 : vector<16xi32>
    %ne3A_132 = arith.constant 0 : i32
    %ne3A_133 = vector.broadcast %ne3A_132 : i32 to vector<16xi32>
    %ne3A_134 = arith.cmpi ne, %rem3A_131, %ne3A_133 : vector<16xi32>
    %and3A_135 = arith.andi %ne3A_129, %ne3A_134 : vector<16xi1>
    %sub3A_136 = arith.constant 1 : i32
    %sub3A_137 = vector.broadcast %sub3A_136 : i32 to vector<16xi32>
    %sub3A_138 = arith.subi %div3A_111, %sub3A_137 : vector<16xi32>
    %select_n3A_139 = arith.select %and3A_135, %sub3A_138, %div3A_111 : vector<16xi1>, vector<16xi32>
    %dma_start3A = arith.constant 0 : i32
    %dma_start3A_140 = arith.constant 0 : i32
    %dma_start3A_141 = tpu.memref_slice %arg8[%dma_start3A, %dma_start3A_140] : memref<125x80xi32, #tpu.memory_space<vmem>> -> memref<1x80xi32, #tpu.memory_space<vmem>>
    %dma_start3A_142 = tpu.memref_squeeze %dma_start3A_141 : memref<1x80xi32, #tpu.memory_space<vmem>> -> memref<80xi32, #tpu.memory_space<vmem>>
    %dma_start3A_143 = arith.constant 0 : i32
    %dma_start3A_144 = arith.constant 0 : i32
    %dma_start3A_145 = tpu.memref_slice %arg2[%dma_start3A_143, %dma_start3A_144] : memref<10000x80xf32, #tpu.memory_space<hbm>> -> memref<10000x80xf32, #tpu.memory_space<hbm>>
    tpu.enqueue_indirect_dma source(%dma_start3A_145 : memref<10000x80xf32, #tpu.memory_space<hbm>>) target(%arg10 : memref<80x80xf32, #tpu.memory_space<vmem>>) offsets(%dma_start3A_142 : memref<80xi32, #tpu.memory_space<vmem>>) semaphore(%arg17 : memref<!tpu.dma_semaphore, #tpu.memory_space<semaphore_mem>>)
    %dma_start3A_146 = arith.constant 0 : i32
    %dma_start3A_147 = arith.constant 0 : i32
    %dma_start3A_148 = tpu.memref_slice %arg9[%dma_start3A_146, %dma_start3A_147] : memref<125x80xi32, #tpu.memory_space<vmem>> -> memref<1x80xi32, #tpu.memory_space<vmem>>
    %dma_start3A_149 = tpu.memref_squeeze %dma_start3A_148 : memref<1x80xi32, #tpu.memory_space<vmem>> -> memref<80xi32, #tpu.memory_space<vmem>>
    %dma_start3A_150 = arith.constant 0 : i32
    %dma_start3A_151 = arith.constant 0 : i32
    %dma_start3A_152 = tpu.memref_slice %arg3[%dma_start3A_150, %dma_start3A_151] : memref<10000x16xf32, #tpu.memory_space<hbm>> -> memref<10000x16xf32, #tpu.memory_space<hbm>>
    tpu.enqueue_indirect_dma source(%dma_start3A_152 : memref<10000x16xf32, #tpu.memory_space<hbm>>) target(%arg12 : memref<80x16xf32, #tpu.memory_space<vmem>>) offsets(%dma_start3A_149 : memref<80xi32, #tpu.memory_space<vmem>>) semaphore(%arg19 : memref<!tpu.dma_semaphore, #tpu.memory_space<semaphore_mem>>)
    %scan3A = arith.constant 0 : i32
    %scan3A_153 = arith.constant 0 : i32
    %scan3A_154 = arith.constant 63 : i32
    %scan3A_155 = arith.addi %scan3A_153, %scan3A_154 : i32
    %scan3A_156 = arith.constant 1 : i32
    scf.for %scan3A_176 = %scan3A_153 to %scan3A_155 step %scan3A_156  : i32 {
      %mul3A_177 = arith.constant 2 : i32
      %mul3A_178 = arith.muli %mul3A_177, %scan3A_176 : i32
      %add3A_179 = arith.constant 0 : i32
      %add3A_180 = arith.addi %mul3A_178, %add3A_179 : i32
      %lt3A = arith.constant 125 : i32
      %lt3A_181 = arith.cmpi slt, %add3A_180, %lt3A : i32
      %convert_element_type3A = arith.extui %lt3A_181 : i1 to i32
      %cond3A = arith.constant 0 : i32
      %cond3A_182 = arith.cmpi ne, %convert_element_type3A, %cond3A : i32
      scf.if %cond3A_182 {
        %add3A_192 = arith.constant 1 : i32
        %add3A_193 = arith.addi %add3A_180, %add3A_192 : i32
        %lt3A_194 = arith.constant 125 : i32
        %lt3A_195 = arith.cmpi slt, %add3A_193, %lt3A_194 : i32
        %convert_element_type3A_196 = arith.extui %lt3A_195 : i1 to i32
        %cond3A_197 = arith.constant 0 : i32
        %cond3A_198 = arith.cmpi ne, %convert_element_type3A_196, %cond3A_197 : i32
        scf.if %cond3A_198 {
          %add3A_227 = arith.constant 1 : i32
          %add3A_228 = arith.addi %add3A_180, %add3A_227 : i32
          %dma_start3A_229 = arith.constant 0 : i32
          %dma_start3A_230 = tpu.memref_slice %arg8[%add3A_228, %dma_start3A_229] : memref<125x80xi32, #tpu.memory_space<vmem>> -> memref<1x80xi32, #tpu.memory_space<vmem>>
          %dma_start3A_231 = tpu.memref_squeeze %dma_start3A_230 : memref<1x80xi32, #tpu.memory_space<vmem>> -> memref<80xi32, #tpu.memory_space<vmem>>
          %dma_start3A_232 = arith.constant 0 : i32
          %dma_start3A_233 = arith.constant 0 : i32
          %dma_start3A_234 = tpu.memref_slice %arg2[%dma_start3A_232, %dma_start3A_233] : memref<10000x80xf32, #tpu.memory_space<hbm>> -> memref<10000x80xf32, #tpu.memory_space<hbm>>
          tpu.enqueue_indirect_dma source(%dma_start3A_234 : memref<10000x80xf32, #tpu.memory_space<hbm>>) target(%arg11 : memref<80x80xf32, #tpu.memory_space<vmem>>) offsets(%dma_start3A_231 : memref<80xi32, #tpu.memory_space<vmem>>) semaphore(%arg18 : memref<!tpu.dma_semaphore, #tpu.memory_space<semaphore_mem>>)
          %add3A_235 = arith.constant 1 : i32
          %add3A_236 = arith.addi %add3A_180, %add3A_235 : i32
          %dma_start3A_237 = arith.constant 0 : i32
          %dma_start3A_238 = tpu.memref_slice %arg9[%add3A_236, %dma_start3A_237] : memref<125x80xi32, #tpu.memory_space<vmem>> -> memref<1x80xi32, #tpu.memory_space<vmem>>
          %dma_start3A_239 = tpu.memref_squeeze %dma_start3A_238 : memref<1x80xi32, #tpu.memory_space<vmem>> -> memref<80xi32, #tpu.memory_space<vmem>>
          %dma_start3A_240 = arith.constant 0 : i32
          %dma_start3A_241 = arith.constant 0 : i32
          %dma_start3A_242 = tpu.memref_slice %arg3[%dma_start3A_240, %dma_start3A_241] : memref<10000x16xf32, #tpu.memory_space<hbm>> -> memref<10000x16xf32, #tpu.memory_space<hbm>>
          tpu.enqueue_indirect_dma source(%dma_start3A_242 : memref<10000x16xf32, #tpu.memory_space<hbm>>) target(%arg13 : memref<80x16xf32, #tpu.memory_space<vmem>>) offsets(%dma_start3A_239 : memref<80xi32, #tpu.memory_space<vmem>>) semaphore(%arg20 : memref<!tpu.dma_semaphore, #tpu.memory_space<semaphore_mem>>)
        } else {
        }
        %dma_wait3A_199 = arith.constant 0 : i32
        %dma_wait3A_200 = tpu.memref_slice %arg8[%add3A_180, %dma_wait3A_199] : memref<125x80xi32, #tpu.memory_space<vmem>> -> memref<1x80xi32, #tpu.memory_space<vmem>>
        %dma_wait3A_201 = tpu.memref_squeeze %dma_wait3A_200 : memref<1x80xi32, #tpu.memory_space<vmem>> -> memref<80xi32, #tpu.memory_space<vmem>>
        %dma_wait3A_202 = arith.constant 0 : i32
        %dma_wait3A_203 = arith.constant 0 : i32
        %dma_wait3A_204 = tpu.memref_slice %arg2[%dma_wait3A_202, %dma_wait3A_203] : memref<10000x80xf32, #tpu.memory_space<hbm>> -> memref<10000x80xf32, #tpu.memory_space<hbm>>
        tpu.wait_indirect_dma semaphore(%arg17 : memref<!tpu.dma_semaphore, #tpu.memory_space<semaphore_mem>>) src(%dma_wait3A_204 : memref<10000x80xf32, #tpu.memory_space<hbm>>) dst(%arg10 : memref<80x80xf32, #tpu.memory_space<vmem>>)
        %dma_wait3A_205 = arith.constant 0 : i32
        %dma_wait3A_206 = tpu.memref_slice %arg9[%add3A_180, %dma_wait3A_205] : memref<125x80xi32, #tpu.memory_space<vmem>> -> memref<1x80xi32, #tpu.memory_space<vmem>>
        %dma_wait3A_207 = tpu.memref_squeeze %dma_wait3A_206 : memref<1x80xi32, #tpu.memory_space<vmem>> -> memref<80xi32, #tpu.memory_space<vmem>>
        %dma_wait3A_208 = arith.constant 0 : i32
        %dma_wait3A_209 = arith.constant 0 : i32
        %dma_wait3A_210 = tpu.memref_slice %arg3[%dma_wait3A_208, %dma_wait3A_209] : memref<10000x16xf32, #tpu.memory_space<hbm>> -> memref<10000x16xf32, #tpu.memory_space<hbm>>
        tpu.wait_indirect_dma semaphore(%arg19 : memref<!tpu.dma_semaphore, #tpu.memory_space<semaphore_mem>>) src(%dma_wait3A_210 : memref<10000x16xf32, #tpu.memory_space<hbm>>) dst(%arg12 : memref<80x16xf32, #tpu.memory_space<vmem>>)
        %ge3A = arith.constant 2 : i32
        %ge3A_211 = arith.cmpi sge, %add3A_180, %ge3A : i32
        %convert_element_type3A_212 = arith.extui %ge3A_211 : i1 to i32
        %cond3A_213 = arith.constant 0 : i32
        %cond3A_214 = arith.cmpi ne, %convert_element_type3A_212, %cond3A_213 : i32
        scf.if %cond3A_214 {
          %dma_wait3A_227 = arith.constant 0 : i32
          %dma_wait3A_228 = tpu.memref_slice %arg9[%add3A_180, %dma_wait3A_227] : memref<125x80xi32, #tpu.memory_space<vmem>> -> memref<1x80xi32, #tpu.memory_space<vmem>>
          %dma_wait3A_229 = tpu.memref_squeeze %dma_wait3A_228 : memref<1x80xi32, #tpu.memory_space<vmem>> -> memref<80xi32, #tpu.memory_space<vmem>>
          %dma_wait3A_230 = arith.constant 0 : i32
          %dma_wait3A_231 = arith.constant 0 : i32
          %dma_wait3A_232 = tpu.memref_slice %arg16[%dma_wait3A_230, %dma_wait3A_231] : memref<10240x80xf32, #tpu.memory_space<vmem_shared>> -> memref<10240x80xf32, #tpu.memory_space<vmem_shared>>
          tpu.wait_indirect_dma semaphore(%arg21 : memref<!tpu.dma_semaphore, #tpu.memory_space<semaphore_mem>>) src(%arg14 : memref<80x80xf32, #tpu.memory_space<vmem>>) dst(%dma_wait3A_232 : memref<10240x80xf32, #tpu.memory_space<vmem_shared>>)
        } else {
        }
        %scan3A_215 = arith.constant 0 : i32
        %scan3A_216 = arith.constant 0 : i32
        %scan3A_217 = arith.constant 80 : i32
        %scan3A_218 = arith.addi %scan3A_216, %scan3A_217 : i32
        %scan3A_219 = arith.constant 1 : i32
        scf.for %scan3A_227 = %scan3A_216 to %scan3A_218 step %scan3A_219  : i32 {
          %get3A = arith.index_cast %scan3A_227 : i32 to index
          %get3A_228 = arith.constant 64 : index
          %get3A_229 = tpu.vector_load %arg10[%get3A, %get3A_228] {strides = array<i32>} : memref<80x80xf32, #tpu.memory_space<vmem>>, vector<16xf32>,
          %get3A_230 = arith.index_cast %scan3A_227 : i32 to index
          %get3A_231 = arith.constant 0 : index
          %get3A_232 = tpu.vector_load %arg12[%get3A_230, %get3A_231] {strides = array<i32>} : memref<80x16xf32, #tpu.memory_space<vmem>>, vector<16xf32>,
          %add3A_233 = arith.addf %get3A_229, %get3A_232 : vector<16xf32>
          %mul3A_234 = arith.constant 2.000000e-01 : f32
          %mul3A_235 = vector.broadcast %mul3A_234 : f32 to vector<16xf32>
          %mul3A_236 = arith.mulf %mul3A_235, %add3A_233 : vector<16xf32>
          %max3A = arith.maximumf %add3A_233, %mul3A_236 : vector<16xf32>
          %exp3A = math.exp %max3A : vector<16xf32>
          %lt3A_237 = arith.constant 0 : i32
          %lt3A_238 = vector.broadcast %lt3A_237 : i32 to vector<16xi32>
          %lt3A_239 = arith.cmpi slt, %select_n3A, %lt3A_238 : vector<16xi32>
          %add3A_240 = arith.constant 16 : i32
          %add3A_241 = vector.broadcast %add3A_240 : i32 to vector<16xi32>
          %add3A_242 = arith.addi %select_n3A, %add3A_241 : vector<16xi32>
          %select_n3A_243 = arith.select %lt3A_239, %add3A_242, %select_n3A : vector<16xi1>, vector<16xi32>
          %reshape3A = vector.shape_cast %select_n3A_243 : vector<16xi32> to vector<16x1xi32>
          %gather3A = vector.shape_cast %reshape3A : vector<16x1xi32> to vector<16xi32>
          %gather3A_244 = tpu.dynamic_gather %exp3A[%gather3A] in [0] : vector<16xf32>, vector<16xi32> -> vector<16xf32>
          %get3A_245 = arith.index_cast %scan3A_227 : i32 to index
          %get3A_246 = arith.constant 0 : index
          %get3A_247 = tpu.vector_load %arg10[%get3A_245, %get3A_246] {strides = array<i32>} : memref<80x80xf32, #tpu.memory_space<vmem>>, vector<16xf32>,
          %mul3A_248 = arith.mulf %get3A_247, %gather3A_244 : vector<16xf32>
          %swap3A = arith.index_cast %scan3A_227 : i32 to index
          %swap3A_249 = arith.constant 0 : index
          %swap3A_250 = tpu.vector_load %arg14[%swap3A, %swap3A_249] {strides = array<i32>} : memref<80x80xf32, #tpu.memory_space<vmem>>, vector<16xf32>,
          tpu.vector_store %arg14[%swap3A, %swap3A_249], %mul3A_248 {strides = array<i32>} : memref<80x80xf32, #tpu.memory_space<vmem>>, vector<16xf32>,
          %lt3A_251 = arith.constant 0 : i32
          %lt3A_252 = vector.broadcast %lt3A_251 : i32 to vector<16xi32>
          %lt3A_253 = arith.cmpi slt, %select_n3A_69, %lt3A_252 : vector<16xi32>
          %add3A_254 = arith.constant 16 : i32
          %add3A_255 = vector.broadcast %add3A_254 : i32 to vector<16xi32>
          %add3A_256 = arith.addi %select_n3A_69, %add3A_255 : vector<16xi32>
          %select_n3A_257 = arith.select %lt3A_253, %add3A_256, %select_n3A_69 : vector<16xi1>, vector<16xi32>
          %reshape3A_258 = vector.shape_cast %select_n3A_257 : vector<16xi32> to vector<16x1xi32>
          %gather3A_259 = vector.shape_cast %reshape3A_258 : vector<16x1xi32> to vector<16xi32>
          %gather3A_260 = tpu.dynamic_gather %exp3A[%gather3A_259] in [0] : vector<16xf32>, vector<16xi32> -> vector<16xf32>
          %get3A_261 = arith.index_cast %scan3A_227 : i32 to index
          %get3A_262 = arith.constant 16 : index
          %get3A_263 = tpu.vector_load %arg10[%get3A_261, %get3A_262] {strides = array<i32>} : memref<80x80xf32, #tpu.memory_space<vmem>>, vector<16xf32>,
          %mul3A_264 = arith.mulf %get3A_263, %gather3A_260 : vector<16xf32>
          %swap3A_265 = arith.index_cast %scan3A_227 : i32 to index
          %swap3A_266 = arith.constant 16 : index
          %swap3A_267 = tpu.vector_load %arg14[%swap3A_265, %swap3A_266] {strides = array<i32>} : memref<80x80xf32, #tpu.memory_space<vmem>>, vector<16xf32>,
          tpu.vector_store %arg14[%swap3A_265, %swap3A_266], %mul3A_264 {strides = array<i32>} : memref<80x80xf32, #tpu.memory_space<vmem>>, vector<16xf32>,
          %lt3A_268 = arith.constant 0 : i32
          %lt3A_269 = vector.broadcast %lt3A_268 : i32 to vector<16xi32>
          %lt3A_270 = arith.cmpi slt, %select_n3A_104, %lt3A_269 : vector<16xi32>
          %add3A_271 = arith.constant 16 : i32
          %add3A_272 = vector.broadcast %add3A_271 : i32 to vector<16xi32>
          %add3A_273 = arith.addi %select_n3A_104, %add3A_272 : vector<16xi32>
          %select_n3A_274 = arith.select %lt3A_270, %add3A_273, %select_n3A_104 : vector<16xi1>, vector<16xi32>
          %reshape3A_275 = vector.shape_cast %select_n3A_274 : vector<16xi32> to vector<16x1xi32>
          %gather3A_276 = vector.shape_cast %reshape3A_275 : vector<16x1xi32> to vector<16xi32>
          %gather3A_277 = tpu.dynamic_gather %exp3A[%gather3A_276] in [0] : vector<16xf32>, vector<16xi32> -> vector<16xf32>
          %get3A_278 = arith.index_cast %scan3A_227 : i32 to index
          %get3A_279 = arith.constant 32 : index
          %get3A_280 = tpu.vector_load %arg10[%get3A_278, %get3A_279] {strides = array<i32>} : memref<80x80xf32, #tpu.memory_space<vmem>>, vector<16xf32>,
          %mul3A_281 = arith.mulf %get3A_280, %gather3A_277 : vector<16xf32>
          %swap3A_282 = arith.index_cast %scan3A_227 : i32 to index
          %swap3A_283 = arith.constant 32 : index
          %swap3A_284 = tpu.vector_load %arg14[%swap3A_282, %swap3A_283] {strides = array<i32>} : memref<80x80xf32, #tpu.memory_space<vmem>>, vector<16xf32>,
          tpu.vector_store %arg14[%swap3A_282, %swap3A_283], %mul3A_281 {strides = array<i32>} : memref<80x80xf32, #tpu.memory_space<vmem>>, vector<16xf32>,
          %lt3A_285 = arith.constant 0 : i32
          %lt3A_286 = vector.broadcast %lt3A_285 : i32 to vector<16xi32>
          %lt3A_287 = arith.cmpi slt, %select_n3A_139, %lt3A_286 : vector<16xi32>
          %add3A_288 = arith.constant 16 : i32
          %add3A_289 = vector.broadcast %add3A_288 : i32 to vector<16xi32>
          %add3A_290 = arith.addi %select_n3A_139, %add3A_289 : vector<16xi32>
          %select_n3A_291 = arith.select %lt3A_287, %add3A_290, %select_n3A_139 : vector<16xi1>, vector<16xi32>
          %reshape3A_292 = vector.shape_cast %select_n3A_291 : vector<16xi32> to vector<16x1xi32>
          %gather3A_293 = vector.shape_cast %reshape3A_292 : vector<16x1xi32> to vector<16xi32>
          %gather3A_294 = tpu.dynamic_gather %exp3A[%gather3A_293] in [0] : vector<16xf32>, vector<16xi32> -> vector<16xf32>
          %get3A_295 = arith.index_cast %scan3A_227 : i32 to index
          %get3A_296 = arith.constant 48 : index
          %get3A_297 = tpu.vector_load %arg10[%get3A_295, %get3A_296] {strides = array<i32>} : memref<80x80xf32, #tpu.memory_space<vmem>>, vector<16xf32>,
          %mul3A_298 = arith.mulf %get3A_297, %gather3A_294 : vector<16xf32>
          %swap3A_299 = arith.index_cast %scan3A_227 : i32 to index
          %swap3A_300 = arith.constant 48 : index
          %swap3A_301 = tpu.vector_load %arg14[%swap3A_299, %swap3A_300] {strides = array<i32>} : memref<80x80xf32, #tpu.memory_space<vmem>>, vector<16xf32>,
          tpu.vector_store %arg14[%swap3A_299, %swap3A_300], %mul3A_298 {strides = array<i32>} : memref<80x80xf32, #tpu.memory_space<vmem>>, vector<16xf32>,
          %swap3A_302 = arith.index_cast %scan3A_227 : i32 to index
          %swap3A_303 = arith.constant 64 : index
          %swap3A_304 = tpu.vector_load %arg14[%swap3A_302, %swap3A_303] {strides = array<i32>} : memref<80x80xf32, #tpu.memory_space<vmem>>, vector<16xf32>,
          tpu.vector_store %arg14[%swap3A_302, %swap3A_303], %exp3A {strides = array<i32>} : memref<80x80xf32, #tpu.memory_space<vmem>>, vector<16xf32>,
        }
        %scan3A_220 = arith.constant 80 : i32
        %dma_start3A_221 = arith.constant 0 : i32
        %dma_start3A_222 = tpu.memref_slice %arg9[%add3A_180, %dma_start3A_221] : memref<125x80xi32, #tpu.memory_space<vmem>> -> memref<1x80xi32, #tpu.memory_space<vmem>>
        %dma_start3A_223 = tpu.memref_squeeze %dma_start3A_222 : memref<1x80xi32, #tpu.memory_space<vmem>> -> memref<80xi32, #tpu.memory_space<vmem>>
        %dma_start3A_224 = arith.constant 0 : i32
        %dma_start3A_225 = arith.constant 0 : i32
        %dma_start3A_226 = tpu.memref_slice %arg16[%dma_start3A_224, %dma_start3A_225] : memref<10240x80xf32, #tpu.memory_space<vmem_shared>> -> memref<10240x80xf32, #tpu.memory_space<vmem_shared>>
        tpu.enqueue_indirect_dma source(%arg14 : memref<80x80xf32, #tpu.memory_space<vmem>>) target(%dma_start3A_226 : memref<10240x80xf32, #tpu.memory_space<vmem_shared>>) offsets(%dma_start3A_223 : memref<80xi32, #tpu.memory_space<vmem>>) semaphore(%arg21 : memref<!tpu.dma_semaphore, #tpu.memory_space<semaphore_mem>>) {add = true}
      } else {
      }
      %mul3A_183 = arith.constant 2 : i32
      %mul3A_184 = arith.muli %mul3A_183, %scan3A_176 : i32
      %add3A_185 = arith.constant 1 : i32
      %add3A_186 = arith.addi %mul3A_184, %add3A_185 : i32
      %lt3A_187 = arith.constant 125 : i32
      %lt3A_188 = arith.cmpi slt, %add3A_186, %lt3A_187 : i32
      %convert_element_type3A_189 = arith.extui %lt3A_188 : i1 to i32
      %cond3A_190 = arith.constant 0 : i32
      %cond3A_191 = arith.cmpi ne, %convert_element_type3A_189, %cond3A_190 : i32
      scf.if %cond3A_191 {
        %add3A_192 = arith.constant 1 : i32
        %add3A_193 = arith.addi %add3A_186, %add3A_192 : i32
        %lt3A_194 = arith.constant 125 : i32
        %lt3A_195 = arith.cmpi slt, %add3A_193, %lt3A_194 : i32
        %convert_element_type3A_196 = arith.extui %lt3A_195 : i1 to i32
        %cond3A_197 = arith.constant 0 : i32
        %cond3A_198 = arith.cmpi ne, %convert_element_type3A_196, %cond3A_197 : i32
        scf.if %cond3A_198 {
          %add3A_227 = arith.constant 1 : i32
          %add3A_228 = arith.addi %add3A_186, %add3A_227 : i32
          %dma_start3A_229 = arith.constant 0 : i32
          %dma_start3A_230 = tpu.memref_slice %arg8[%add3A_228, %dma_start3A_229] : memref<125x80xi32, #tpu.memory_space<vmem>> -> memref<1x80xi32, #tpu.memory_space<vmem>>
          %dma_start3A_231 = tpu.memref_squeeze %dma_start3A_230 : memref<1x80xi32, #tpu.memory_space<vmem>> -> memref<80xi32, #tpu.memory_space<vmem>>
          %dma_start3A_232 = arith.constant 0 : i32
          %dma_start3A_233 = arith.constant 0 : i32
          %dma_start3A_234 = tpu.memref_slice %arg2[%dma_start3A_232, %dma_start3A_233] : memref<10000x80xf32, #tpu.memory_space<hbm>> -> memref<10000x80xf32, #tpu.memory_space<hbm>>
          tpu.enqueue_indirect_dma source(%dma_start3A_234 : memref<10000x80xf32, #tpu.memory_space<hbm>>) target(%arg10 : memref<80x80xf32, #tpu.memory_space<vmem>>) offsets(%dma_start3A_231 : memref<80xi32, #tpu.memory_space<vmem>>) semaphore(%arg17 : memref<!tpu.dma_semaphore, #tpu.memory_space<semaphore_mem>>)
          %add3A_235 = arith.constant 1 : i32
          %add3A_236 = arith.addi %add3A_186, %add3A_235 : i32
          %dma_start3A_237 = arith.constant 0 : i32
          %dma_start3A_238 = tpu.memref_slice %arg9[%add3A_236, %dma_start3A_237] : memref<125x80xi32, #tpu.memory_space<vmem>> -> memref<1x80xi32, #tpu.memory_space<vmem>>
          %dma_start3A_239 = tpu.memref_squeeze %dma_start3A_238 : memref<1x80xi32, #tpu.memory_space<vmem>> -> memref<80xi32, #tpu.memory_space<vmem>>
          %dma_start3A_240 = arith.constant 0 : i32
          %dma_start3A_241 = arith.constant 0 : i32
          %dma_start3A_242 = tpu.memref_slice %arg3[%dma_start3A_240, %dma_start3A_241] : memref<10000x16xf32, #tpu.memory_space<hbm>> -> memref<10000x16xf32, #tpu.memory_space<hbm>>
          tpu.enqueue_indirect_dma source(%dma_start3A_242 : memref<10000x16xf32, #tpu.memory_space<hbm>>) target(%arg12 : memref<80x16xf32, #tpu.memory_space<vmem>>) offsets(%dma_start3A_239 : memref<80xi32, #tpu.memory_space<vmem>>) semaphore(%arg19 : memref<!tpu.dma_semaphore, #tpu.memory_space<semaphore_mem>>)
        } else {
        }
        %dma_wait3A_199 = arith.constant 0 : i32
        %dma_wait3A_200 = tpu.memref_slice %arg8[%add3A_186, %dma_wait3A_199] : memref<125x80xi32, #tpu.memory_space<vmem>> -> memref<1x80xi32, #tpu.memory_space<vmem>>
        %dma_wait3A_201 = tpu.memref_squeeze %dma_wait3A_200 : memref<1x80xi32, #tpu.memory_space<vmem>> -> memref<80xi32, #tpu.memory_space<vmem>>
        %dma_wait3A_202 = arith.constant 0 : i32
        %dma_wait3A_203 = arith.constant 0 : i32
        %dma_wait3A_204 = tpu.memref_slice %arg2[%dma_wait3A_202, %dma_wait3A_203] : memref<10000x80xf32, #tpu.memory_space<hbm>> -> memref<10000x80xf32, #tpu.memory_space<hbm>>
        tpu.wait_indirect_dma semaphore(%arg18 : memref<!tpu.dma_semaphore, #tpu.memory_space<semaphore_mem>>) src(%dma_wait3A_204 : memref<10000x80xf32, #tpu.memory_space<hbm>>) dst(%arg11 : memref<80x80xf32, #tpu.memory_space<vmem>>)
        %dma_wait3A_205 = arith.constant 0 : i32
        %dma_wait3A_206 = tpu.memref_slice %arg9[%add3A_186, %dma_wait3A_205] : memref<125x80xi32, #tpu.memory_space<vmem>> -> memref<1x80xi32, #tpu.memory_space<vmem>>
        %dma_wait3A_207 = tpu.memref_squeeze %dma_wait3A_206 : memref<1x80xi32, #tpu.memory_space<vmem>> -> memref<80xi32, #tpu.memory_space<vmem>>
        %dma_wait3A_208 = arith.constant 0 : i32
        %dma_wait3A_209 = arith.constant 0 : i32
        %dma_wait3A_210 = tpu.memref_slice %arg3[%dma_wait3A_208, %dma_wait3A_209] : memref<10000x16xf32, #tpu.memory_space<hbm>> -> memref<10000x16xf32, #tpu.memory_space<hbm>>
        tpu.wait_indirect_dma semaphore(%arg20 : memref<!tpu.dma_semaphore, #tpu.memory_space<semaphore_mem>>) src(%dma_wait3A_210 : memref<10000x16xf32, #tpu.memory_space<hbm>>) dst(%arg13 : memref<80x16xf32, #tpu.memory_space<vmem>>)
        %ge3A = arith.constant 2 : i32
        %ge3A_211 = arith.cmpi sge, %add3A_186, %ge3A : i32
        %convert_element_type3A_212 = arith.extui %ge3A_211 : i1 to i32
        %cond3A_213 = arith.constant 0 : i32
        %cond3A_214 = arith.cmpi ne, %convert_element_type3A_212, %cond3A_213 : i32
        scf.if %cond3A_214 {
          %dma_wait3A_227 = arith.constant 0 : i32
          %dma_wait3A_228 = tpu.memref_slice %arg9[%add3A_186, %dma_wait3A_227] : memref<125x80xi32, #tpu.memory_space<vmem>> -> memref<1x80xi32, #tpu.memory_space<vmem>>
          %dma_wait3A_229 = tpu.memref_squeeze %dma_wait3A_228 : memref<1x80xi32, #tpu.memory_space<vmem>> -> memref<80xi32, #tpu.memory_space<vmem>>
          %dma_wait3A_230 = arith.constant 0 : i32
          %dma_wait3A_231 = arith.constant 0 : i32
          %dma_wait3A_232 = tpu.memref_slice %arg16[%dma_wait3A_230, %dma_wait3A_231] : memref<10240x80xf32, #tpu.memory_space<vmem_shared>> -> memref<10240x80xf32, #tpu.memory_space<vmem_shared>>
          tpu.wait_indirect_dma semaphore(%arg22 : memref<!tpu.dma_semaphore, #tpu.memory_space<semaphore_mem>>) src(%arg15 : memref<80x80xf32, #tpu.memory_space<vmem>>) dst(%dma_wait3A_232 : memref<10240x80xf32, #tpu.memory_space<vmem_shared>>)
        } else {
        }
        %scan3A_215 = arith.constant 0 : i32
        %scan3A_216 = arith.constant 0 : i32
        %scan3A_217 = arith.constant 80 : i32
        %scan3A_218 = arith.addi %scan3A_216, %scan3A_217 : i32
        %scan3A_219 = arith.constant 1 : i32
        scf.for %scan3A_227 = %scan3A_216 to %scan3A_218 step %scan3A_219  : i32 {
          %get3A = arith.index_cast %scan3A_227 : i32 to index
          %get3A_228 = arith.constant 64 : index
          %get3A_229 = tpu.vector_load %arg11[%get3A, %get3A_228] {strides = array<i32>} : memref<80x80xf32, #tpu.memory_space<vmem>>, vector<16xf32>,
          %get3A_230 = arith.index_cast %scan3A_227 : i32 to index
          %get3A_231 = arith.constant 0 : index
          %get3A_232 = tpu.vector_load %arg13[%get3A_230, %get3A_231] {strides = array<i32>} : memref<80x16xf32, #tpu.memory_space<vmem>>, vector<16xf32>,
          %add3A_233 = arith.addf %get3A_229, %get3A_232 : vector<16xf32>
          %mul3A_234 = arith.constant 2.000000e-01 : f32
          %mul3A_235 = vector.broadcast %mul3A_234 : f32 to vector<16xf32>
          %mul3A_236 = arith.mulf %mul3A_235, %add3A_233 : vector<16xf32>
          %max3A = arith.maximumf %add3A_233, %mul3A_236 : vector<16xf32>
          %exp3A = math.exp %max3A : vector<16xf32>
          %lt3A_237 = arith.constant 0 : i32
          %lt3A_238 = vector.broadcast %lt3A_237 : i32 to vector<16xi32>
          %lt3A_239 = arith.cmpi slt, %select_n3A, %lt3A_238 : vector<16xi32>
          %add3A_240 = arith.constant 16 : i32
          %add3A_241 = vector.broadcast %add3A_240 : i32 to vector<16xi32>
          %add3A_242 = arith.addi %select_n3A, %add3A_241 : vector<16xi32>
          %select_n3A_243 = arith.select %lt3A_239, %add3A_242, %select_n3A : vector<16xi1>, vector<16xi32>
          %reshape3A = vector.shape_cast %select_n3A_243 : vector<16xi32> to vector<16x1xi32>
          %gather3A = vector.shape_cast %reshape3A : vector<16x1xi32> to vector<16xi32>
          %gather3A_244 = tpu.dynamic_gather %exp3A[%gather3A] in [0] : vector<16xf32>, vector<16xi32> -> vector<16xf32>
          %get3A_245 = arith.index_cast %scan3A_227 : i32 to index
          %get3A_246 = arith.constant 0 : index
          %get3A_247 = tpu.vector_load %arg11[%get3A_245, %get3A_246] {strides = array<i32>} : memref<80x80xf32, #tpu.memory_space<vmem>>, vector<16xf32>,
          %mul3A_248 = arith.mulf %get3A_247, %gather3A_244 : vector<16xf32>
          %swap3A = arith.index_cast %scan3A_227 : i32 to index
          %swap3A_249 = arith.constant 0 : index
          %swap3A_250 = tpu.vector_load %arg15[%swap3A, %swap3A_249] {strides = array<i32>} : memref<80x80xf32, #tpu.memory_space<vmem>>, vector<16xf32>,
          tpu.vector_store %arg15[%swap3A, %swap3A_249], %mul3A_248 {strides = array<i32>} : memref<80x80xf32, #tpu.memory_space<vmem>>, vector<16xf32>,
          %lt3A_251 = arith.constant 0 : i32
          %lt3A_252 = vector.broadcast %lt3A_251 : i32 to vector<16xi32>
          %lt3A_253 = arith.cmpi slt, %select_n3A_69, %lt3A_252 : vector<16xi32>
          %add3A_254 = arith.constant 16 : i32
          %add3A_255 = vector.broadcast %add3A_254 : i32 to vector<16xi32>
          %add3A_256 = arith.addi %select_n3A_69, %add3A_255 : vector<16xi32>
          %select_n3A_257 = arith.select %lt3A_253, %add3A_256, %select_n3A_69 : vector<16xi1>, vector<16xi32>
          %reshape3A_258 = vector.shape_cast %select_n3A_257 : vector<16xi32> to vector<16x1xi32>
          %gather3A_259 = vector.shape_cast %reshape3A_258 : vector<16x1xi32> to vector<16xi32>
          %gather3A_260 = tpu.dynamic_gather %exp3A[%gather3A_259] in [0] : vector<16xf32>, vector<16xi32> -> vector<16xf32>
          %get3A_261 = arith.index_cast %scan3A_227 : i32 to index
          %get3A_262 = arith.constant 16 : index
          %get3A_263 = tpu.vector_load %arg11[%get3A_261, %get3A_262] {strides = array<i32>} : memref<80x80xf32, #tpu.memory_space<vmem>>, vector<16xf32>,
          %mul3A_264 = arith.mulf %get3A_263, %gather3A_260 : vector<16xf32>
          %swap3A_265 = arith.index_cast %scan3A_227 : i32 to index
          %swap3A_266 = arith.constant 16 : index
          %swap3A_267 = tpu.vector_load %arg15[%swap3A_265, %swap3A_266] {strides = array<i32>} : memref<80x80xf32, #tpu.memory_space<vmem>>, vector<16xf32>,
          tpu.vector_store %arg15[%swap3A_265, %swap3A_266], %mul3A_264 {strides = array<i32>} : memref<80x80xf32, #tpu.memory_space<vmem>>, vector<16xf32>,
          %lt3A_268 = arith.constant 0 : i32
          %lt3A_269 = vector.broadcast %lt3A_268 : i32 to vector<16xi32>
          %lt3A_270 = arith.cmpi slt, %select_n3A_104, %lt3A_269 : vector<16xi32>
          %add3A_271 = arith.constant 16 : i32
          %add3A_272 = vector.broadcast %add3A_271 : i32 to vector<16xi32>
          %add3A_273 = arith.addi %select_n3A_104, %add3A_272 : vector<16xi32>
          %select_n3A_274 = arith.select %lt3A_270, %add3A_273, %select_n3A_104 : vector<16xi1>, vector<16xi32>
          %reshape3A_275 = vector.shape_cast %select_n3A_274 : vector<16xi32> to vector<16x1xi32>
          %gather3A_276 = vector.shape_cast %reshape3A_275 : vector<16x1xi32> to vector<16xi32>
          %gather3A_277 = tpu.dynamic_gather %exp3A[%gather3A_276] in [0] : vector<16xf32>, vector<16xi32> -> vector<16xf32>
          %get3A_278 = arith.index_cast %scan3A_227 : i32 to index
          %get3A_279 = arith.constant 32 : index
          %get3A_280 = tpu.vector_load %arg11[%get3A_278, %get3A_279] {strides = array<i32>} : memref<80x80xf32, #tpu.memory_space<vmem>>, vector<16xf32>,
          %mul3A_281 = arith.mulf %get3A_280, %gather3A_277 : vector<16xf32>
          %swap3A_282 = arith.index_cast %scan3A_227 : i32 to index
          %swap3A_283 = arith.constant 32 : index
          %swap3A_284 = tpu.vector_load %arg15[%swap3A_282, %swap3A_283] {strides = array<i32>} : memref<80x80xf32, #tpu.memory_space<vmem>>, vector<16xf32>,
          tpu.vector_store %arg15[%swap3A_282, %swap3A_283], %mul3A_281 {strides = array<i32>} : memref<80x80xf32, #tpu.memory_space<vmem>>, vector<16xf32>,
          %lt3A_285 = arith.constant 0 : i32
          %lt3A_286 = vector.broadcast %lt3A_285 : i32 to vector<16xi32>
          %lt3A_287 = arith.cmpi slt, %select_n3A_139, %lt3A_286 : vector<16xi32>
          %add3A_288 = arith.constant 16 : i32
          %add3A_289 = vector.broadcast %add3A_288 : i32 to vector<16xi32>
          %add3A_290 = arith.addi %select_n3A_139, %add3A_289 : vector<16xi32>
          %select_n3A_291 = arith.select %lt3A_287, %add3A_290, %select_n3A_139 : vector<16xi1>, vector<16xi32>
          %reshape3A_292 = vector.shape_cast %select_n3A_291 : vector<16xi32> to vector<16x1xi32>
          %gather3A_293 = vector.shape_cast %reshape3A_292 : vector<16x1xi32> to vector<16xi32>
          %gather3A_294 = tpu.dynamic_gather %exp3A[%gather3A_293] in [0] : vector<16xf32>, vector<16xi32> -> vector<16xf32>
          %get3A_295 = arith.index_cast %scan3A_227 : i32 to index
          %get3A_296 = arith.constant 48 : index
          %get3A_297 = tpu.vector_load %arg11[%get3A_295, %get3A_296] {strides = array<i32>} : memref<80x80xf32, #tpu.memory_space<vmem>>, vector<16xf32>,
          %mul3A_298 = arith.mulf %get3A_297, %gather3A_294 : vector<16xf32>
          %swap3A_299 = arith.index_cast %scan3A_227 : i32 to index
          %swap3A_300 = arith.constant 48 : index
          %swap3A_301 = tpu.vector_load %arg15[%swap3A_299, %swap3A_300] {strides = array<i32>} : memref<80x80xf32, #tpu.memory_space<vmem>>, vector<16xf32>,
          tpu.vector_store %arg15[%swap3A_299, %swap3A_300], %mul3A_298 {strides = array<i32>} : memref<80x80xf32, #tpu.memory_space<vmem>>, vector<16xf32>,
          %swap3A_302 = arith.index_cast %scan3A_227 : i32 to index
          %swap3A_303 = arith.constant 64 : index
          %swap3A_304 = tpu.vector_load %arg15[%swap3A_302, %swap3A_303] {strides = array<i32>} : memref<80x80xf32, #tpu.memory_space<vmem>>, vector<16xf32>,
          tpu.vector_store %arg15[%swap3A_302, %swap3A_303], %exp3A {strides = array<i32>} : memref<80x80xf32, #tpu.memory_space<vmem>>, vector<16xf32>,
        }
        %scan3A_220 = arith.constant 80 : i32
        %dma_start3A_221 = arith.constant 0 : i32
        %dma_start3A_222 = tpu.memref_slice %arg9[%add3A_186, %dma_start3A_221] : memref<125x80xi32, #tpu.memory_space<vmem>> -> memref<1x80xi32, #tpu.memory_space<vmem>>
        %dma_start3A_223 = tpu.memref_squeeze %dma_start3A_222 : memref<1x80xi32, #tpu.memory_space<vmem>> -> memref<80xi32, #tpu.memory_space<vmem>>
        %dma_start3A_224 = arith.constant 0 : i32
        %dma_start3A_225 = arith.constant 0 : i32
        %dma_start3A_226 = tpu.memref_slice %arg16[%dma_start3A_224, %dma_start3A_225] : memref<10240x80xf32, #tpu.memory_space<vmem_shared>> -> memref<10240x80xf32, #tpu.memory_space<vmem_shared>>
        tpu.enqueue_indirect_dma source(%arg15 : memref<80x80xf32, #tpu.memory_space<vmem>>) target(%dma_start3A_226 : memref<10240x80xf32, #tpu.memory_space<vmem_shared>>) offsets(%dma_start3A_223 : memref<80xi32, #tpu.memory_space<vmem>>) semaphore(%arg22 : memref<!tpu.dma_semaphore, #tpu.memory_space<semaphore_mem>>) {add = true}
      } else {
      }
    }
    %scan3A_157 = arith.constant 63 : i32
    %dma_wait3A = arith.constant 0 : i32
    %dma_wait3A_158 = arith.constant 0 : i32
    %dma_wait3A_159 = tpu.memref_slice %arg9[%dma_wait3A, %dma_wait3A_158] : memref<125x80xi32, #tpu.memory_space<vmem>> -> memref<1x80xi32, #tpu.memory_space<vmem>>
    %dma_wait3A_160 = tpu.memref_squeeze %dma_wait3A_159 : memref<1x80xi32, #tpu.memory_space<vmem>> -> memref<80xi32, #tpu.memory_space<vmem>>
    %dma_wait3A_161 = arith.constant 0 : i32
    %dma_wait3A_162 = arith.constant 0 : i32
    %dma_wait3A_163 = tpu.memref_slice %arg16[%dma_wait3A_161, %dma_wait3A_162] : memref<10240x80xf32, #tpu.memory_space<vmem_shared>> -> memref<10240x80xf32, #tpu.memory_space<vmem_shared>>
    tpu.wait_indirect_dma semaphore(%arg21 : memref<!tpu.dma_semaphore, #tpu.memory_space<semaphore_mem>>) src(%arg14 : memref<80x80xf32, #tpu.memory_space<vmem>>) dst(%dma_wait3A_163 : memref<10240x80xf32, #tpu.memory_space<vmem_shared>>)
    %dma_wait3A_164 = arith.constant 1 : i32
    %dma_wait3A_165 = arith.constant 0 : i32
    %dma_wait3A_166 = tpu.memref_slice %arg9[%dma_wait3A_164, %dma_wait3A_165] : memref<125x80xi32, #tpu.memory_space<vmem>> -> memref<1x80xi32, #tpu.memory_space<vmem>>
    %dma_wait3A_167 = tpu.memref_squeeze %dma_wait3A_166 : memref<1x80xi32, #tpu.memory_space<vmem>> -> memref<80xi32, #tpu.memory_space<vmem>>
    %dma_wait3A_168 = arith.constant 0 : i32
    %dma_wait3A_169 = arith.constant 0 : i32
    %dma_wait3A_170 = tpu.memref_slice %arg16[%dma_wait3A_168, %dma_wait3A_169] : memref<10240x80xf32, #tpu.memory_space<vmem_shared>> -> memref<10240x80xf32, #tpu.memory_space<vmem_shared>>
    tpu.wait_indirect_dma semaphore(%arg22 : memref<!tpu.dma_semaphore, #tpu.memory_space<semaphore_mem>>) src(%arg15 : memref<80x80xf32, #tpu.memory_space<vmem>>) dst(%dma_wait3A_170 : memref<10240x80xf32, #tpu.memory_space<vmem_shared>>)
    %barrier3A_171 = arith.constant 0 : index
    tpu.barrier barrier_id(%barrier3A_171)
    %mul3A_172 = arith.constant 640 : i32
    %mul3A_173 = arith.muli %arg1, %mul3A_172 : i32
    %mul3A_174 = arith.constant 640 : i32
    %mul3A_175 = arith.muli %arg1, %mul3A_174 : i32
    "tpu.region"() ({
      %run_scoped3A = tpu.sem_alloc : memref<!tpu.dma_semaphore, #tpu.memory_space<semaphore_mem>>
      %dma_start3A_176 = arith.constant 0 : i32
      %dma_start3A_177 = tpu.memref_slice %arg7[%arg0, %mul3A_175, %dma_start3A_176] : memref<2x10240x80xf32, #tpu.memory_space<hbm>> -> memref<1x640x80xf32, #tpu.memory_space<hbm>>
      %dma_start3A_178 = tpu.memref_squeeze %dma_start3A_177 : memref<1x640x80xf32, #tpu.memory_space<hbm>> -> memref<640x80xf32, #tpu.memory_space<hbm>>
      %dma_start3A_179 = arith.constant 0 : i32
      %dma_start3A_180 = tpu.memref_slice %arg16[%mul3A_173, %dma_start3A_179] : memref<10240x80xf32, #tpu.memory_space<vmem_shared>> -> memref<640x80xf32, #tpu.memory_space<vmem_shared>>
      tpu.enqueue_dma source(%dma_start3A_180 : memref<640x80xf32, #tpu.memory_space<vmem_shared>>) target(%dma_start3A_178 : memref<640x80xf32, #tpu.memory_space<hbm>>) target_semaphore(%run_scoped3A : memref<!tpu.dma_semaphore, #tpu.memory_space<semaphore_mem>>)
      %dma_wait3A_181 = arith.constant 0 : i32
      %dma_wait3A_182 = tpu.memref_slice %arg7[%arg0, %mul3A_175, %dma_wait3A_181] : memref<2x10240x80xf32, #tpu.memory_space<hbm>> -> memref<1x640x80xf32, #tpu.memory_space<hbm>>
      %dma_wait3A_183 = tpu.memref_squeeze %dma_wait3A_182 : memref<1x640x80xf32, #tpu.memory_space<hbm>> -> memref<640x80xf32, #tpu.memory_space<hbm>>
      %dma_wait3A_184 = arith.constant 0 : i32
      %dma_wait3A_185 = tpu.memref_slice %arg16[%mul3A_173, %dma_wait3A_184] : memref<10240x80xf32, #tpu.memory_space<vmem_shared>> -> memref<640x80xf32, #tpu.memory_space<vmem_shared>>
      tpu.wait_dma2 semaphore(%run_scoped3A : memref<!tpu.dma_semaphore, #tpu.memory_space<semaphore_mem>>) src(%dma_wait3A_185 : memref<640x80xf32, #tpu.memory_space<vmem_shared>>) dst(%dma_wait3A_183 : memref<640x80xf32, #tpu.memory_space<hbm>>)
      tpu.yield
    }) : () -> ()
    return
  }
}

#map = affine_map<(d0, d1) -> (0, 0)>
#map1 = affine_map<(d0, d1) -> (0, 0, 0)>
module attributes {stable_mosaic.version = 14 : i64} {
  func.func @edge_kernel(%arg0: i32, %arg1: i32, %arg2: memref<10000x80xf32, #tpu.memory_space<hbm>>, %arg3: memref<10000x16xf32, #tpu.memory_space<hbm>>, %arg4: memref<4000x80xi32, #tpu.memory_space<hbm>>, %arg5: memref<4000x80xi32, #tpu.memory_space<hbm>>, %arg6: memref<10240x80xf32, #tpu.memory_space<hbm>>, %arg7: memref<2x10240x80xf32, #tpu.memory_space<hbm>>, %arg8: memref<125x80xi32, #tpu.memory_space<vmem>>, %arg9: memref<125x80xi32, #tpu.memory_space<vmem>>, %arg10: memref<80x80xf32, #tpu.memory_space<vmem>>, %arg11: memref<80x80xf32, #tpu.memory_space<vmem>>, %arg12: memref<80x16xf32, #tpu.memory_space<vmem>>, %arg13: memref<80x16xf32, #tpu.memory_space<vmem>>, %arg14: memref<80x80xf32, #tpu.memory_space<vmem>>, %arg15: memref<80x80xf32, #tpu.memory_space<vmem>>, %arg16: memref<10240x80xf32, #tpu.memory_space<vmem_shared>>, %arg17: memref<!tpu.dma_semaphore, #tpu.memory_space<semaphore_mem>>, %arg18: memref<!tpu.dma_semaphore, #tpu.memory_space<semaphore_mem>>, %arg19: memref<!tpu.dma_semaphore, #tpu.memory_space<semaphore_mem>>, %arg20: memref<!tpu.dma_semaphore, #tpu.memory_space<semaphore_mem>>, %arg21: memref<!tpu.dma_semaphore, #tpu.memory_space<semaphore_mem>>, %arg22: memref<!tpu.dma_semaphore, #tpu.memory_space<semaphore_mem>>) attributes {dimension_semantics = [#tpu.dimension_semantics<core_parallel>, #tpu.dimension_semantics<subcore_parallel>], iteration_bounds = array<i64: 2, 16>, scalar_prefetch = 0 : i64, scratch_operands = 15 : i64, tpu.core_type = #tpu.core_type<sc_vector_subcore>, window_params = [{transform_indices = #map}, {transform_indices = #map}, {transform_indices = #map}, {transform_indices = #map}, {transform_indices = #map}, {transform_indices = #map1}]} {
    %mul3A = arith.constant 16 : i32
    %mul3A_0 = arith.muli %arg0, %mul3A : i32
    %add3A = arith.addi %mul3A_0, %arg1 : i32
    %mul3A_1 = arith.constant 640 : i32
    %mul3A_2 = arith.muli %arg1, %mul3A_1 : i32
    %mul3A_3 = arith.constant 640 : i32
    %mul3A_4 = arith.muli %arg1, %mul3A_3 : i32
    "tpu.region"() ({
      %run_scoped3A = tpu.sem_alloc : memref<!tpu.dma_semaphore, #tpu.memory_space<semaphore_mem>>
      %dma_start3A_176 = arith.constant 0 : i32
      %dma_start3A_177 = tpu.memref_slice %arg16[%mul3A_4, %dma_start3A_176] : memref<10240x80xf32, #tpu.memory_space<vmem_shared>> -> memref<640x80xf32, #tpu.memory_space<vmem_shared>>
      %dma_start3A_178 = arith.constant 0 : i32
      %dma_start3A_179 = tpu.memref_slice %arg6[%mul3A_2, %dma_start3A_178] : memref<10240x80xf32, #tpu.memory_space<hbm>> -> memref<640x80xf32, #tpu.memory_space<hbm>>
      tpu.enqueue_dma source(%dma_start3A_179 : memref<640x80xf32, #tpu.memory_space<hbm>>) target(%dma_start3A_177 : memref<640x80xf32, #tpu.memory_space<vmem_shared>>) target_semaphore(%run_scoped3A : memref<!tpu.dma_semaphore, #tpu.memory_space<semaphore_mem>>)
      %dma_wait3A_180 = arith.constant 0 : i32
      %dma_wait3A_181 = tpu.memref_slice %arg16[%mul3A_4, %dma_wait3A_180] : memref<10240x80xf32, #tpu.memory_space<vmem_shared>> -> memref<640x80xf32, #tpu.memory_space<vmem_shared>>
      %dma_wait3A_182 = arith.constant 0 : i32
      %dma_wait3A_183 = tpu.memref_slice %arg6[%mul3A_2, %dma_wait3A_182] : memref<10240x80xf32, #tpu.memory_space<hbm>> -> memref<640x80xf32, #tpu.memory_space<hbm>>
      tpu.wait_dma2 semaphore(%run_scoped3A : memref<!tpu.dma_semaphore, #tpu.memory_space<semaphore_mem>>) src(%dma_wait3A_183 : memref<640x80xf32, #tpu.memory_space<hbm>>) dst(%dma_wait3A_181 : memref<640x80xf32, #tpu.memory_space<vmem_shared>>)
      tpu.yield
    }) : () -> ()
    %mul3A_5 = arith.constant 125 : i32
    %mul3A_6 = arith.muli %add3A, %mul3A_5 : i32
    "tpu.region"() ({
      %run_scoped3A = tpu.sem_alloc : memref<!tpu.dma_semaphore, #tpu.memory_space<semaphore_mem>>
      %dma_start3A_176 = arith.constant 0 : i32
      %dma_start3A_177 = tpu.memref_slice %arg4[%mul3A_6, %dma_start3A_176] : memref<4000x80xi32, #tpu.memory_space<hbm>> -> memref<125x80xi32, #tpu.memory_space<hbm>>
      %dma_start3A_178 = arith.constant 0 : i32
      %dma_start3A_179 = tpu.memref_slice %arg4[%mul3A_6, %dma_start3A_178] : memref<4000x80xi32, #tpu.memory_space<hbm>> -> memref<125x80xi32, #tpu.memory_space<hbm>>
      tpu.enqueue_dma source(%dma_start3A_179 : memref<125x80xi32, #tpu.memory_space<hbm>>) target(%arg8 : memref<125x80xi32, #tpu.memory_space<vmem>>) target_semaphore(%run_scoped3A : memref<!tpu.dma_semaphore, #tpu.memory_space<semaphore_mem>>)
      %dma_wait3A_180 = arith.constant 0 : i32
      %dma_wait3A_181 = tpu.memref_slice %arg4[%mul3A_6, %dma_wait3A_180] : memref<4000x80xi32, #tpu.memory_space<hbm>> -> memref<125x80xi32, #tpu.memory_space<hbm>>
      %dma_wait3A_182 = arith.constant 0 : i32
      %dma_wait3A_183 = tpu.memref_slice %arg4[%mul3A_6, %dma_wait3A_182] : memref<4000x80xi32, #tpu.memory_space<hbm>> -> memref<125x80xi32, #tpu.memory_space<hbm>>
      tpu.wait_dma2 semaphore(%run_scoped3A : memref<!tpu.dma_semaphore, #tpu.memory_space<semaphore_mem>>) src(%dma_wait3A_183 : memref<125x80xi32, #tpu.memory_space<hbm>>) dst(%arg8 : memref<125x80xi32, #tpu.memory_space<vmem>>)
      tpu.yield
    }) : () -> ()
    %mul3A_7 = arith.constant 125 : i32
    %mul3A_8 = arith.muli %add3A, %mul3A_7 : i32
    "tpu.region"() ({
      %run_scoped3A = tpu.sem_alloc : memref<!tpu.dma_semaphore, #tpu.memory_space<semaphore_mem>>
      %dma_start3A_176 = arith.constant 0 : i32
      %dma_start3A_177 = tpu.memref_slice %arg5[%mul3A_8, %dma_start3A_176] : memref<4000x80xi32, #tpu.memory_space<hbm>> -> memref<125x80xi32, #tpu.memory_space<hbm>>
      %dma_start3A_178 = arith.constant 0 : i32
      %dma_start3A_179 = tpu.memref_slice %arg5[%mul3A_8, %dma_start3A_178] : memref<4000x80xi32, #tpu.memory_space<hbm>> -> memref<125x80xi32, #tpu.memory_space<hbm>>
      tpu.enqueue_dma source(%dma_start3A_179 : memref<125x80xi32, #tpu.memory_space<hbm>>) target(%arg9 : memref<125x80xi32, #tpu.memory_space<vmem>>) target_semaphore(%run_scoped3A : memref<!tpu.dma_semaphore, #tpu.memory_space<semaphore_mem>>)
      %dma_wait3A_180 = arith.constant 0 : i32
      %dma_wait3A_181 = tpu.memref_slice %arg5[%mul3A_8, %dma_wait3A_180] : memref<4000x80xi32, #tpu.memory_space<hbm>> -> memref<125x80xi32, #tpu.memory_space<hbm>>
      %dma_wait3A_182 = arith.constant 0 : i32
      %dma_wait3A_183 = tpu.memref_slice %arg5[%mul3A_8, %dma_wait3A_182] : memref<4000x80xi32, #tpu.memory_space<hbm>> -> memref<125x80xi32, #tpu.memory_space<hbm>>
      tpu.wait_dma2 semaphore(%run_scoped3A : memref<!tpu.dma_semaphore, #tpu.memory_space<semaphore_mem>>) src(%dma_wait3A_183 : memref<125x80xi32, #tpu.memory_space<hbm>>) dst(%arg9 : memref<125x80xi32, #tpu.memory_space<vmem>>)
      tpu.yield
    }) : () -> ()
    %barrier3A = arith.constant 0 : index
    tpu.barrier barrier_id(%barrier3A)
    %iota3A = tpu.iota {dimensions = array<i32: 0>} : vector<16xi32>
    %add3A_9 = arith.constant 0 : i32
    %add3A_10 = vector.broadcast %add3A_9 : i32 to vector<16xi32>
    %add3A_11 = arith.addi %iota3A, %add3A_10 : vector<16xi32>
    %jit3A = arith.constant 64 : i32
    %div3A = vector.broadcast %jit3A : i32 to vector<16xi32>
    %div3A_12 = arith.divsi %add3A_11, %div3A : vector<16xi32>
    %sign3A = arith.constant 0 : i32
    %sign3A_13 = vector.broadcast %sign3A : i32 to vector<16xi32>
    %sign3A_14 = arith.cmpi sgt, %add3A_11, %sign3A_13 : vector<16xi32>
    %sign3A_15 = arith.extui %sign3A_14 : vector<16xi1> to vector<16xi32>
    %sign3A_16 = arith.constant 0 : i32
    %sign3A_17 = vector.broadcast %sign3A_16 : i32 to vector<16xi32>
    %sign3A_18 = arith.cmpi slt, %add3A_11, %sign3A_17 : vector<16xi32>
    %sign3A_19 = arith.extui %sign3A_18 : vector<16xi1> to vector<16xi32>
    %sign3A_20 = arith.subi %sign3A_15, %sign3A_19 : vector<16xi32>
    %sign3A_21 = arith.constant 0 : i32
    %sign3A_22 = arith.cmpi sgt, %jit3A, %sign3A_21 : i32
    %sign3A_23 = arith.extui %sign3A_22 : i1 to i32
    %sign3A_24 = arith.constant 0 : i32
    %sign3A_25 = arith.cmpi slt, %jit3A, %sign3A_24 : i32
    %sign3A_26 = arith.extui %sign3A_25 : i1 to i32
    %sign3A_27 = arith.subi %sign3A_23, %sign3A_26 : i32
    %ne3A = vector.broadcast %sign3A_27 : i32 to vector<16xi32>
    %ne3A_28 = arith.cmpi ne, %sign3A_20, %ne3A : vector<16xi32>
    %rem3A = vector.broadcast %jit3A : i32 to vector<16xi32>
    %rem3A_29 = arith.remsi %add3A_11, %rem3A : vector<16xi32>
    %ne3A_30 = arith.constant 0 : i32
    %ne3A_31 = vector.broadcast %ne3A_30 : i32 to vector<16xi32>
    %ne3A_32 = arith.cmpi ne, %rem3A_29, %ne3A_31 : vector<16xi32>
    %and3A = arith.andi %ne3A_28, %ne3A_32 : vector<16xi1>
    %sub3A = arith.constant 1 : i32
    %sub3A_33 = vector.broadcast %sub3A : i32 to vector<16xi32>
    %sub3A_34 = arith.subi %div3A_12, %sub3A_33 : vector<16xi32>
    %select_n3A = arith.select %and3A, %sub3A_34, %div3A_12 : vector<16xi1>, vector<16xi32>
    %iota3A_35 = tpu.iota {dimensions = array<i32: 0>} : vector<16xi32>
    %add3A_36 = arith.constant 16 : i32
    %add3A_37 = vector.broadcast %add3A_36 : i32 to vector<16xi32>
    %add3A_38 = arith.addi %iota3A_35, %add3A_37 : vector<16xi32>
    %jit3A_39 = arith.constant 64 : i32
    %div3A_40 = vector.broadcast %jit3A_39 : i32 to vector<16xi32>
    %div3A_41 = arith.divsi %add3A_38, %div3A_40 : vector<16xi32>
    %sign3A_42 = arith.constant 0 : i32
    %sign3A_43 = vector.broadcast %sign3A_42 : i32 to vector<16xi32>
    %sign3A_44 = arith.cmpi sgt, %add3A_38, %sign3A_43 : vector<16xi32>
    %sign3A_45 = arith.extui %sign3A_44 : vector<16xi1> to vector<16xi32>
    %sign3A_46 = arith.constant 0 : i32
    %sign3A_47 = vector.broadcast %sign3A_46 : i32 to vector<16xi32>
    %sign3A_48 = arith.cmpi slt, %add3A_38, %sign3A_47 : vector<16xi32>
    %sign3A_49 = arith.extui %sign3A_48 : vector<16xi1> to vector<16xi32>
    %sign3A_50 = arith.subi %sign3A_45, %sign3A_49 : vector<16xi32>
    %sign3A_51 = arith.constant 0 : i32
    %sign3A_52 = arith.cmpi sgt, %jit3A_39, %sign3A_51 : i32
    %sign3A_53 = arith.extui %sign3A_52 : i1 to i32
    %sign3A_54 = arith.constant 0 : i32
    %sign3A_55 = arith.cmpi slt, %jit3A_39, %sign3A_54 : i32
    %sign3A_56 = arith.extui %sign3A_55 : i1 to i32
    %sign3A_57 = arith.subi %sign3A_53, %sign3A_56 : i32
    %ne3A_58 = vector.broadcast %sign3A_57 : i32 to vector<16xi32>
    %ne3A_59 = arith.cmpi ne, %sign3A_50, %ne3A_58 : vector<16xi32>
    %rem3A_60 = vector.broadcast %jit3A_39 : i32 to vector<16xi32>
    %rem3A_61 = arith.remsi %add3A_38, %rem3A_60 : vector<16xi32>
    %ne3A_62 = arith.constant 0 : i32
    %ne3A_63 = vector.broadcast %ne3A_62 : i32 to vector<16xi32>
    %ne3A_64 = arith.cmpi ne, %rem3A_61, %ne3A_63 : vector<16xi32>
    %and3A_65 = arith.andi %ne3A_59, %ne3A_64 : vector<16xi1>
    %sub3A_66 = arith.constant 1 : i32
    %sub3A_67 = vector.broadcast %sub3A_66 : i32 to vector<16xi32>
    %sub3A_68 = arith.subi %div3A_41, %sub3A_67 : vector<16xi32>
    %select_n3A_69 = arith.select %and3A_65, %sub3A_68, %div3A_41 : vector<16xi1>, vector<16xi32>
    %iota3A_70 = tpu.iota {dimensions = array<i32: 0>} : vector<16xi32>
    %add3A_71 = arith.constant 32 : i32
    %add3A_72 = vector.broadcast %add3A_71 : i32 to vector<16xi32>
    %add3A_73 = arith.addi %iota3A_70, %add3A_72 : vector<16xi32>
    %jit3A_74 = arith.constant 64 : i32
    %div3A_75 = vector.broadcast %jit3A_74 : i32 to vector<16xi32>
    %div3A_76 = arith.divsi %add3A_73, %div3A_75 : vector<16xi32>
    %sign3A_77 = arith.constant 0 : i32
    %sign3A_78 = vector.broadcast %sign3A_77 : i32 to vector<16xi32>
    %sign3A_79 = arith.cmpi sgt, %add3A_73, %sign3A_78 : vector<16xi32>
    %sign3A_80 = arith.extui %sign3A_79 : vector<16xi1> to vector<16xi32>
    %sign3A_81 = arith.constant 0 : i32
    %sign3A_82 = vector.broadcast %sign3A_81 : i32 to vector<16xi32>
    %sign3A_83 = arith.cmpi slt, %add3A_73, %sign3A_82 : vector<16xi32>
    %sign3A_84 = arith.extui %sign3A_83 : vector<16xi1> to vector<16xi32>
    %sign3A_85 = arith.subi %sign3A_80, %sign3A_84 : vector<16xi32>
    %sign3A_86 = arith.constant 0 : i32
    %sign3A_87 = arith.cmpi sgt, %jit3A_74, %sign3A_86 : i32
    %sign3A_88 = arith.extui %sign3A_87 : i1 to i32
    %sign3A_89 = arith.constant 0 : i32
    %sign3A_90 = arith.cmpi slt, %jit3A_74, %sign3A_89 : i32
    %sign3A_91 = arith.extui %sign3A_90 : i1 to i32
    %sign3A_92 = arith.subi %sign3A_88, %sign3A_91 : i32
    %ne3A_93 = vector.broadcast %sign3A_92 : i32 to vector<16xi32>
    %ne3A_94 = arith.cmpi ne, %sign3A_85, %ne3A_93 : vector<16xi32>
    %rem3A_95 = vector.broadcast %jit3A_74 : i32 to vector<16xi32>
    %rem3A_96 = arith.remsi %add3A_73, %rem3A_95 : vector<16xi32>
    %ne3A_97 = arith.constant 0 : i32
    %ne3A_98 = vector.broadcast %ne3A_97 : i32 to vector<16xi32>
    %ne3A_99 = arith.cmpi ne, %rem3A_96, %ne3A_98 : vector<16xi32>
    %and3A_100 = arith.andi %ne3A_94, %ne3A_99 : vector<16xi1>
    %sub3A_101 = arith.constant 1 : i32
    %sub3A_102 = vector.broadcast %sub3A_101 : i32 to vector<16xi32>
    %sub3A_103 = arith.subi %div3A_76, %sub3A_102 : vector<16xi32>
    %select_n3A_104 = arith.select %and3A_100, %sub3A_103, %div3A_76 : vector<16xi1>, vector<16xi32>
    %iota3A_105 = tpu.iota {dimensions = array<i32: 0>} : vector<16xi32>
    %add3A_106 = arith.constant 48 : i32
    %add3A_107 = vector.broadcast %add3A_106 : i32 to vector<16xi32>
    %add3A_108 = arith.addi %iota3A_105, %add3A_107 : vector<16xi32>
    %jit3A_109 = arith.constant 64 : i32
    %div3A_110 = vector.broadcast %jit3A_109 : i32 to vector<16xi32>
    %div3A_111 = arith.divsi %add3A_108, %div3A_110 : vector<16xi32>
    %sign3A_112 = arith.constant 0 : i32
    %sign3A_113 = vector.broadcast %sign3A_112 : i32 to vector<16xi32>
    %sign3A_114 = arith.cmpi sgt, %add3A_108, %sign3A_113 : vector<16xi32>
    %sign3A_115 = arith.extui %sign3A_114 : vector<16xi1> to vector<16xi32>
    %sign3A_116 = arith.constant 0 : i32
    %sign3A_117 = vector.broadcast %sign3A_116 : i32 to vector<16xi32>
    %sign3A_118 = arith.cmpi slt, %add3A_108, %sign3A_117 : vector<16xi32>
    %sign3A_119 = arith.extui %sign3A_118 : vector<16xi1> to vector<16xi32>
    %sign3A_120 = arith.subi %sign3A_115, %sign3A_119 : vector<16xi32>
    %sign3A_121 = arith.constant 0 : i32
    %sign3A_122 = arith.cmpi sgt, %jit3A_109, %sign3A_121 : i32
    %sign3A_123 = arith.extui %sign3A_122 : i1 to i32
    %sign3A_124 = arith.constant 0 : i32
    %sign3A_125 = arith.cmpi slt, %jit3A_109, %sign3A_124 : i32
    %sign3A_126 = arith.extui %sign3A_125 : i1 to i32
    %sign3A_127 = arith.subi %sign3A_123, %sign3A_126 : i32
    %ne3A_128 = vector.broadcast %sign3A_127 : i32 to vector<16xi32>
    %ne3A_129 = arith.cmpi ne, %sign3A_120, %ne3A_128 : vector<16xi32>
    %rem3A_130 = vector.broadcast %jit3A_109 : i32 to vector<16xi32>
    %rem3A_131 = arith.remsi %add3A_108, %rem3A_130 : vector<16xi32>
    %ne3A_132 = arith.constant 0 : i32
    %ne3A_133 = vector.broadcast %ne3A_132 : i32 to vector<16xi32>
    %ne3A_134 = arith.cmpi ne, %rem3A_131, %ne3A_133 : vector<16xi32>
    %and3A_135 = arith.andi %ne3A_129, %ne3A_134 : vector<16xi1>
    %sub3A_136 = arith.constant 1 : i32
    %sub3A_137 = vector.broadcast %sub3A_136 : i32 to vector<16xi32>
    %sub3A_138 = arith.subi %div3A_111, %sub3A_137 : vector<16xi32>
    %select_n3A_139 = arith.select %and3A_135, %sub3A_138, %div3A_111 : vector<16xi1>, vector<16xi32>
    %dma_start3A = arith.constant 0 : i32
    %dma_start3A_140 = arith.constant 0 : i32
    %dma_start3A_141 = tpu.memref_slice %arg8[%dma_start3A, %dma_start3A_140] : memref<125x80xi32, #tpu.memory_space<vmem>> -> memref<1x80xi32, #tpu.memory_space<vmem>>
    %dma_start3A_142 = tpu.memref_squeeze %dma_start3A_141 : memref<1x80xi32, #tpu.memory_space<vmem>> -> memref<80xi32, #tpu.memory_space<vmem>>
    %dma_start3A_143 = arith.constant 0 : i32
    %dma_start3A_144 = arith.constant 0 : i32
    %dma_start3A_145 = tpu.memref_slice %arg2[%dma_start3A_143, %dma_start3A_144] : memref<10000x80xf32, #tpu.memory_space<hbm>> -> memref<10000x80xf32, #tpu.memory_space<hbm>>
    tpu.enqueue_indirect_dma source(%dma_start3A_145 : memref<10000x80xf32, #tpu.memory_space<hbm>>) target(%arg10 : memref<80x80xf32, #tpu.memory_space<vmem>>) offsets(%dma_start3A_142 : memref<80xi32, #tpu.memory_space<vmem>>) semaphore(%arg17 : memref<!tpu.dma_semaphore, #tpu.memory_space<semaphore_mem>>)
    %dma_start3A_146 = arith.constant 0 : i32
    %dma_start3A_147 = arith.constant 0 : i32
    %dma_start3A_148 = tpu.memref_slice %arg9[%dma_start3A_146, %dma_start3A_147] : memref<125x80xi32, #tpu.memory_space<vmem>> -> memref<1x80xi32, #tpu.memory_space<vmem>>
    %dma_start3A_149 = tpu.memref_squeeze %dma_start3A_148 : memref<1x80xi32, #tpu.memory_space<vmem>> -> memref<80xi32, #tpu.memory_space<vmem>>
    %dma_start3A_150 = arith.constant 0 : i32
    %dma_start3A_151 = arith.constant 0 : i32
    %dma_start3A_152 = tpu.memref_slice %arg3[%dma_start3A_150, %dma_start3A_151] : memref<10000x16xf32, #tpu.memory_space<hbm>> -> memref<10000x16xf32, #tpu.memory_space<hbm>>
    tpu.enqueue_indirect_dma source(%dma_start3A_152 : memref<10000x16xf32, #tpu.memory_space<hbm>>) target(%arg12 : memref<80x16xf32, #tpu.memory_space<vmem>>) offsets(%dma_start3A_149 : memref<80xi32, #tpu.memory_space<vmem>>) semaphore(%arg19 : memref<!tpu.dma_semaphore, #tpu.memory_space<semaphore_mem>>)
    %scan3A = arith.constant 0 : i32
    %scan3A_153 = arith.constant 0 : i32
    %scan3A_154 = arith.constant 63 : i32
    %scan3A_155 = arith.addi %scan3A_153, %scan3A_154 : i32
    %scan3A_156 = arith.constant 1 : i32
    scf.for %scan3A_176 = %scan3A_153 to %scan3A_155 step %scan3A_156  : i32 {
      %mul3A_177 = arith.constant 2 : i32
      %mul3A_178 = arith.muli %mul3A_177, %scan3A_176 : i32
      %add3A_179 = arith.constant 0 : i32
      %add3A_180 = arith.addi %mul3A_178, %add3A_179 : i32
      %lt3A = arith.constant 125 : i32
      %lt3A_181 = arith.cmpi slt, %add3A_180, %lt3A : i32
      %convert_element_type3A = arith.extui %lt3A_181 : i1 to i32
      %cond3A = arith.constant 0 : i32
      %cond3A_182 = arith.cmpi ne, %convert_element_type3A, %cond3A : i32
      scf.if %cond3A_182 {
        %add3A_192 = arith.constant 1 : i32
        %add3A_193 = arith.addi %add3A_180, %add3A_192 : i32
        %lt3A_194 = arith.constant 125 : i32
        %lt3A_195 = arith.cmpi slt, %add3A_193, %lt3A_194 : i32
        %convert_element_type3A_196 = arith.extui %lt3A_195 : i1 to i32
        %cond3A_197 = arith.constant 0 : i32
        %cond3A_198 = arith.cmpi ne, %convert_element_type3A_196, %cond3A_197 : i32
        scf.if %cond3A_198 {
          %add3A_227 = arith.constant 1 : i32
          %add3A_228 = arith.addi %add3A_180, %add3A_227 : i32
          %dma_start3A_229 = arith.constant 0 : i32
          %dma_start3A_230 = tpu.memref_slice %arg8[%add3A_228, %dma_start3A_229] : memref<125x80xi32, #tpu.memory_space<vmem>> -> memref<1x80xi32, #tpu.memory_space<vmem>>
          %dma_start3A_231 = tpu.memref_squeeze %dma_start3A_230 : memref<1x80xi32, #tpu.memory_space<vmem>> -> memref<80xi32, #tpu.memory_space<vmem>>
          %dma_start3A_232 = arith.constant 0 : i32
          %dma_start3A_233 = arith.constant 0 : i32
          %dma_start3A_234 = tpu.memref_slice %arg2[%dma_start3A_232, %dma_start3A_233] : memref<10000x80xf32, #tpu.memory_space<hbm>> -> memref<10000x80xf32, #tpu.memory_space<hbm>>
          tpu.enqueue_indirect_dma source(%dma_start3A_234 : memref<10000x80xf32, #tpu.memory_space<hbm>>) target(%arg11 : memref<80x80xf32, #tpu.memory_space<vmem>>) offsets(%dma_start3A_231 : memref<80xi32, #tpu.memory_space<vmem>>) semaphore(%arg18 : memref<!tpu.dma_semaphore, #tpu.memory_space<semaphore_mem>>)
          %add3A_235 = arith.constant 1 : i32
          %add3A_236 = arith.addi %add3A_180, %add3A_235 : i32
          %dma_start3A_237 = arith.constant 0 : i32
          %dma_start3A_238 = tpu.memref_slice %arg9[%add3A_236, %dma_start3A_237] : memref<125x80xi32, #tpu.memory_space<vmem>> -> memref<1x80xi32, #tpu.memory_space<vmem>>
          %dma_start3A_239 = tpu.memref_squeeze %dma_start3A_238 : memref<1x80xi32, #tpu.memory_space<vmem>> -> memref<80xi32, #tpu.memory_space<vmem>>
          %dma_start3A_240 = arith.constant 0 : i32
          %dma_start3A_241 = arith.constant 0 : i32
          %dma_start3A_242 = tpu.memref_slice %arg3[%dma_start3A_240, %dma_start3A_241] : memref<10000x16xf32, #tpu.memory_space<hbm>> -> memref<10000x16xf32, #tpu.memory_space<hbm>>
          tpu.enqueue_indirect_dma source(%dma_start3A_242 : memref<10000x16xf32, #tpu.memory_space<hbm>>) target(%arg13 : memref<80x16xf32, #tpu.memory_space<vmem>>) offsets(%dma_start3A_239 : memref<80xi32, #tpu.memory_space<vmem>>) semaphore(%arg20 : memref<!tpu.dma_semaphore, #tpu.memory_space<semaphore_mem>>)
        } else {
        }
        %dma_wait3A_199 = arith.constant 0 : i32
        %dma_wait3A_200 = tpu.memref_slice %arg8[%add3A_180, %dma_wait3A_199] : memref<125x80xi32, #tpu.memory_space<vmem>> -> memref<1x80xi32, #tpu.memory_space<vmem>>
        %dma_wait3A_201 = tpu.memref_squeeze %dma_wait3A_200 : memref<1x80xi32, #tpu.memory_space<vmem>> -> memref<80xi32, #tpu.memory_space<vmem>>
        %dma_wait3A_202 = arith.constant 0 : i32
        %dma_wait3A_203 = arith.constant 0 : i32
        %dma_wait3A_204 = tpu.memref_slice %arg2[%dma_wait3A_202, %dma_wait3A_203] : memref<10000x80xf32, #tpu.memory_space<hbm>> -> memref<10000x80xf32, #tpu.memory_space<hbm>>
        tpu.wait_indirect_dma semaphore(%arg17 : memref<!tpu.dma_semaphore, #tpu.memory_space<semaphore_mem>>) src(%dma_wait3A_204 : memref<10000x80xf32, #tpu.memory_space<hbm>>) dst(%arg10 : memref<80x80xf32, #tpu.memory_space<vmem>>)
        %dma_wait3A_205 = arith.constant 0 : i32
        %dma_wait3A_206 = tpu.memref_slice %arg9[%add3A_180, %dma_wait3A_205] : memref<125x80xi32, #tpu.memory_space<vmem>> -> memref<1x80xi32, #tpu.memory_space<vmem>>
        %dma_wait3A_207 = tpu.memref_squeeze %dma_wait3A_206 : memref<1x80xi32, #tpu.memory_space<vmem>> -> memref<80xi32, #tpu.memory_space<vmem>>
        %dma_wait3A_208 = arith.constant 0 : i32
        %dma_wait3A_209 = arith.constant 0 : i32
        %dma_wait3A_210 = tpu.memref_slice %arg3[%dma_wait3A_208, %dma_wait3A_209] : memref<10000x16xf32, #tpu.memory_space<hbm>> -> memref<10000x16xf32, #tpu.memory_space<hbm>>
        tpu.wait_indirect_dma semaphore(%arg19 : memref<!tpu.dma_semaphore, #tpu.memory_space<semaphore_mem>>) src(%dma_wait3A_210 : memref<10000x16xf32, #tpu.memory_space<hbm>>) dst(%arg12 : memref<80x16xf32, #tpu.memory_space<vmem>>)
        %ge3A = arith.constant 2 : i32
        %ge3A_211 = arith.cmpi sge, %add3A_180, %ge3A : i32
        %convert_element_type3A_212 = arith.extui %ge3A_211 : i1 to i32
        %cond3A_213 = arith.constant 0 : i32
        %cond3A_214 = arith.cmpi ne, %convert_element_type3A_212, %cond3A_213 : i32
        scf.if %cond3A_214 {
          %dma_wait3A_227 = arith.constant 0 : i32
          %dma_wait3A_228 = tpu.memref_slice %arg9[%add3A_180, %dma_wait3A_227] : memref<125x80xi32, #tpu.memory_space<vmem>> -> memref<1x80xi32, #tpu.memory_space<vmem>>
          %dma_wait3A_229 = tpu.memref_squeeze %dma_wait3A_228 : memref<1x80xi32, #tpu.memory_space<vmem>> -> memref<80xi32, #tpu.memory_space<vmem>>
          %dma_wait3A_230 = arith.constant 0 : i32
          %dma_wait3A_231 = arith.constant 0 : i32
          %dma_wait3A_232 = tpu.memref_slice %arg16[%dma_wait3A_230, %dma_wait3A_231] : memref<10240x80xf32, #tpu.memory_space<vmem_shared>> -> memref<10240x80xf32, #tpu.memory_space<vmem_shared>>
          tpu.wait_indirect_dma semaphore(%arg21 : memref<!tpu.dma_semaphore, #tpu.memory_space<semaphore_mem>>) src(%arg14 : memref<80x80xf32, #tpu.memory_space<vmem>>) dst(%dma_wait3A_232 : memref<10240x80xf32, #tpu.memory_space<vmem_shared>>)
        } else {
        }
        %scan3A_215 = arith.constant 0 : i32
        %scan3A_216 = arith.constant 0 : i32
        %scan3A_217 = arith.constant 80 : i32
        %scan3A_218 = arith.addi %scan3A_216, %scan3A_217 : i32
        %scan3A_219 = arith.constant 1 : i32
        scf.for %scan3A_227 = %scan3A_216 to %scan3A_218 step %scan3A_219  : i32 {
          %get3A = arith.index_cast %scan3A_227 : i32 to index
          %get3A_228 = arith.constant 64 : index
          %get3A_229 = tpu.vector_load %arg10[%get3A, %get3A_228] {strides = array<i32>} : memref<80x80xf32, #tpu.memory_space<vmem>>, vector<16xf32>,
          %get3A_230 = arith.index_cast %scan3A_227 : i32 to index
          %get3A_231 = arith.constant 0 : index
          %get3A_232 = tpu.vector_load %arg12[%get3A_230, %get3A_231] {strides = array<i32>} : memref<80x16xf32, #tpu.memory_space<vmem>>, vector<16xf32>,
          %add3A_233 = arith.addf %get3A_229, %get3A_232 : vector<16xf32>
          %mul3A_234 = arith.constant 2.000000e-01 : f32
          %mul3A_235 = vector.broadcast %mul3A_234 : f32 to vector<16xf32>
          %mul3A_236 = arith.mulf %mul3A_235, %add3A_233 : vector<16xf32>
          %max3A = arith.maximumf %add3A_233, %mul3A_236 : vector<16xf32>
          %exp3A = math.exp %max3A : vector<16xf32>
          %lt3A_237 = arith.constant 0 : i32
          %lt3A_238 = vector.broadcast %lt3A_237 : i32 to vector<16xi32>
          %lt3A_239 = arith.cmpi slt, %select_n3A, %lt3A_238 : vector<16xi32>
          %add3A_240 = arith.constant 16 : i32
          %add3A_241 = vector.broadcast %add3A_240 : i32 to vector<16xi32>
          %add3A_242 = arith.addi %select_n3A, %add3A_241 : vector<16xi32>
          %select_n3A_243 = arith.select %lt3A_239, %add3A_242, %select_n3A : vector<16xi1>, vector<16xi32>
          %reshape3A = vector.shape_cast %select_n3A_243 : vector<16xi32> to vector<16x1xi32>
          %gather3A = vector.shape_cast %reshape3A : vector<16x1xi32> to vector<16xi32>
          %gather3A_244 = tpu.dynamic_gather %exp3A[%gather3A] in [0] : vector<16xf32>, vector<16xi32> -> vector<16xf32>
          %get3A_245 = arith.index_cast %scan3A_227 : i32 to index
          %get3A_246 = arith.constant 0 : index
          %get3A_247 = tpu.vector_load %arg10[%get3A_245, %get3A_246] {strides = array<i32>} : memref<80x80xf32, #tpu.memory_space<vmem>>, vector<16xf32>,
          %mul3A_248 = arith.mulf %get3A_247, %gather3A_244 : vector<16xf32>
          %swap3A = arith.index_cast %scan3A_227 : i32 to index
          %swap3A_249 = arith.constant 0 : index
          %swap3A_250 = tpu.vector_load %arg14[%swap3A, %swap3A_249] {strides = array<i32>} : memref<80x80xf32, #tpu.memory_space<vmem>>, vector<16xf32>,
          tpu.vector_store %arg14[%swap3A, %swap3A_249], %mul3A_248 {strides = array<i32>} : memref<80x80xf32, #tpu.memory_space<vmem>>, vector<16xf32>,
          %lt3A_251 = arith.constant 0 : i32
          %lt3A_252 = vector.broadcast %lt3A_251 : i32 to vector<16xi32>
          %lt3A_253 = arith.cmpi slt, %select_n3A_69, %lt3A_252 : vector<16xi32>
          %add3A_254 = arith.constant 16 : i32
          %add3A_255 = vector.broadcast %add3A_254 : i32 to vector<16xi32>
          %add3A_256 = arith.addi %select_n3A_69, %add3A_255 : vector<16xi32>
          %select_n3A_257 = arith.select %lt3A_253, %add3A_256, %select_n3A_69 : vector<16xi1>, vector<16xi32>
          %reshape3A_258 = vector.shape_cast %select_n3A_257 : vector<16xi32> to vector<16x1xi32>
          %gather3A_259 = vector.shape_cast %reshape3A_258 : vector<16x1xi32> to vector<16xi32>
          %gather3A_260 = tpu.dynamic_gather %exp3A[%gather3A_259] in [0] : vector<16xf32>, vector<16xi32> -> vector<16xf32>
          %get3A_261 = arith.index_cast %scan3A_227 : i32 to index
          %get3A_262 = arith.constant 16 : index
          %get3A_263 = tpu.vector_load %arg10[%get3A_261, %get3A_262] {strides = array<i32>} : memref<80x80xf32, #tpu.memory_space<vmem>>, vector<16xf32>,
          %mul3A_264 = arith.mulf %get3A_263, %gather3A_260 : vector<16xf32>
          %swap3A_265 = arith.index_cast %scan3A_227 : i32 to index
          %swap3A_266 = arith.constant 16 : index
          %swap3A_267 = tpu.vector_load %arg14[%swap3A_265, %swap3A_266] {strides = array<i32>} : memref<80x80xf32, #tpu.memory_space<vmem>>, vector<16xf32>,
          tpu.vector_store %arg14[%swap3A_265, %swap3A_266], %mul3A_264 {strides = array<i32>} : memref<80x80xf32, #tpu.memory_space<vmem>>, vector<16xf32>,
          %lt3A_268 = arith.constant 0 : i32
          %lt3A_269 = vector.broadcast %lt3A_268 : i32 to vector<16xi32>
          %lt3A_270 = arith.cmpi slt, %select_n3A_104, %lt3A_269 : vector<16xi32>
          %add3A_271 = arith.constant 16 : i32
          %add3A_272 = vector.broadcast %add3A_271 : i32 to vector<16xi32>
          %add3A_273 = arith.addi %select_n3A_104, %add3A_272 : vector<16xi32>
          %select_n3A_274 = arith.select %lt3A_270, %add3A_273, %select_n3A_104 : vector<16xi1>, vector<16xi32>
          %reshape3A_275 = vector.shape_cast %select_n3A_274 : vector<16xi32> to vector<16x1xi32>
          %gather3A_276 = vector.shape_cast %reshape3A_275 : vector<16x1xi32> to vector<16xi32>
          %gather3A_277 = tpu.dynamic_gather %exp3A[%gather3A_276] in [0] : vector<16xf32>, vector<16xi32> -> vector<16xf32>
          %get3A_278 = arith.index_cast %scan3A_227 : i32 to index
          %get3A_279 = arith.constant 32 : index
          %get3A_280 = tpu.vector_load %arg10[%get3A_278, %get3A_279] {strides = array<i32>} : memref<80x80xf32, #tpu.memory_space<vmem>>, vector<16xf32>,
          %mul3A_281 = arith.mulf %get3A_280, %gather3A_277 : vector<16xf32>
          %swap3A_282 = arith.index_cast %scan3A_227 : i32 to index
          %swap3A_283 = arith.constant 32 : index
          %swap3A_284 = tpu.vector_load %arg14[%swap3A_282, %swap3A_283] {strides = array<i32>} : memref<80x80xf32, #tpu.memory_space<vmem>>, vector<16xf32>,
          tpu.vector_store %arg14[%swap3A_282, %swap3A_283], %mul3A_281 {strides = array<i32>} : memref<80x80xf32, #tpu.memory_space<vmem>>, vector<16xf32>,
          %lt3A_285 = arith.constant 0 : i32
          %lt3A_286 = vector.broadcast %lt3A_285 : i32 to vector<16xi32>
          %lt3A_287 = arith.cmpi slt, %select_n3A_139, %lt3A_286 : vector<16xi32>
          %add3A_288 = arith.constant 16 : i32
          %add3A_289 = vector.broadcast %add3A_288 : i32 to vector<16xi32>
          %add3A_290 = arith.addi %select_n3A_139, %add3A_289 : vector<16xi32>
          %select_n3A_291 = arith.select %lt3A_287, %add3A_290, %select_n3A_139 : vector<16xi1>, vector<16xi32>
          %reshape3A_292 = vector.shape_cast %select_n3A_291 : vector<16xi32> to vector<16x1xi32>
          %gather3A_293 = vector.shape_cast %reshape3A_292 : vector<16x1xi32> to vector<16xi32>
          %gather3A_294 = tpu.dynamic_gather %exp3A[%gather3A_293] in [0] : vector<16xf32>, vector<16xi32> -> vector<16xf32>
          %get3A_295 = arith.index_cast %scan3A_227 : i32 to index
          %get3A_296 = arith.constant 48 : index
          %get3A_297 = tpu.vector_load %arg10[%get3A_295, %get3A_296] {strides = array<i32>} : memref<80x80xf32, #tpu.memory_space<vmem>>, vector<16xf32>,
          %mul3A_298 = arith.mulf %get3A_297, %gather3A_294 : vector<16xf32>
          %swap3A_299 = arith.index_cast %scan3A_227 : i32 to index
          %swap3A_300 = arith.constant 48 : index
          %swap3A_301 = tpu.vector_load %arg14[%swap3A_299, %swap3A_300] {strides = array<i32>} : memref<80x80xf32, #tpu.memory_space<vmem>>, vector<16xf32>,
          tpu.vector_store %arg14[%swap3A_299, %swap3A_300], %mul3A_298 {strides = array<i32>} : memref<80x80xf32, #tpu.memory_space<vmem>>, vector<16xf32>,
          %swap3A_302 = arith.index_cast %scan3A_227 : i32 to index
          %swap3A_303 = arith.constant 64 : index
          %swap3A_304 = tpu.vector_load %arg14[%swap3A_302, %swap3A_303] {strides = array<i32>} : memref<80x80xf32, #tpu.memory_space<vmem>>, vector<16xf32>,
          tpu.vector_store %arg14[%swap3A_302, %swap3A_303], %exp3A {strides = array<i32>} : memref<80x80xf32, #tpu.memory_space<vmem>>, vector<16xf32>,
        }
        %scan3A_220 = arith.constant 80 : i32
        %dma_start3A_221 = arith.constant 0 : i32
        %dma_start3A_222 = tpu.memref_slice %arg9[%add3A_180, %dma_start3A_221] : memref<125x80xi32, #tpu.memory_space<vmem>> -> memref<1x80xi32, #tpu.memory_space<vmem>>
        %dma_start3A_223 = tpu.memref_squeeze %dma_start3A_222 : memref<1x80xi32, #tpu.memory_space<vmem>> -> memref<80xi32, #tpu.memory_space<vmem>>
        %dma_start3A_224 = arith.constant 0 : i32
        %dma_start3A_225 = arith.constant 0 : i32
        %dma_start3A_226 = tpu.memref_slice %arg16[%dma_start3A_224, %dma_start3A_225] : memref<10240x80xf32, #tpu.memory_space<vmem_shared>> -> memref<10240x80xf32, #tpu.memory_space<vmem_shared>>
        tpu.enqueue_indirect_dma source(%arg14 : memref<80x80xf32, #tpu.memory_space<vmem>>) target(%dma_start3A_226 : memref<10240x80xf32, #tpu.memory_space<vmem_shared>>) offsets(%dma_start3A_223 : memref<80xi32, #tpu.memory_space<vmem>>) semaphore(%arg21 : memref<!tpu.dma_semaphore, #tpu.memory_space<semaphore_mem>>) {add = true}
      } else {
      }
      %mul3A_183 = arith.constant 2 : i32
      %mul3A_184 = arith.muli %mul3A_183, %scan3A_176 : i32
      %add3A_185 = arith.constant 1 : i32
      %add3A_186 = arith.addi %mul3A_184, %add3A_185 : i32
      %lt3A_187 = arith.constant 125 : i32
      %lt3A_188 = arith.cmpi slt, %add3A_186, %lt3A_187 : i32
      %convert_element_type3A_189 = arith.extui %lt3A_188 : i1 to i32
      %cond3A_190 = arith.constant 0 : i32
      %cond3A_191 = arith.cmpi ne, %convert_element_type3A_189, %cond3A_190 : i32
      scf.if %cond3A_191 {
        %add3A_192 = arith.constant 1 : i32
        %add3A_193 = arith.addi %add3A_186, %add3A_192 : i32
        %lt3A_194 = arith.constant 125 : i32
        %lt3A_195 = arith.cmpi slt, %add3A_193, %lt3A_194 : i32
        %convert_element_type3A_196 = arith.extui %lt3A_195 : i1 to i32
        %cond3A_197 = arith.constant 0 : i32
        %cond3A_198 = arith.cmpi ne, %convert_element_type3A_196, %cond3A_197 : i32
        scf.if %cond3A_198 {
          %add3A_227 = arith.constant 1 : i32
          %add3A_228 = arith.addi %add3A_186, %add3A_227 : i32
          %dma_start3A_229 = arith.constant 0 : i32
          %dma_start3A_230 = tpu.memref_slice %arg8[%add3A_228, %dma_start3A_229] : memref<125x80xi32, #tpu.memory_space<vmem>> -> memref<1x80xi32, #tpu.memory_space<vmem>>
          %dma_start3A_231 = tpu.memref_squeeze %dma_start3A_230 : memref<1x80xi32, #tpu.memory_space<vmem>> -> memref<80xi32, #tpu.memory_space<vmem>>
          %dma_start3A_232 = arith.constant 0 : i32
          %dma_start3A_233 = arith.constant 0 : i32
          %dma_start3A_234 = tpu.memref_slice %arg2[%dma_start3A_232, %dma_start3A_233] : memref<10000x80xf32, #tpu.memory_space<hbm>> -> memref<10000x80xf32, #tpu.memory_space<hbm>>
          tpu.enqueue_indirect_dma source(%dma_start3A_234 : memref<10000x80xf32, #tpu.memory_space<hbm>>) target(%arg10 : memref<80x80xf32, #tpu.memory_space<vmem>>) offsets(%dma_start3A_231 : memref<80xi32, #tpu.memory_space<vmem>>) semaphore(%arg17 : memref<!tpu.dma_semaphore, #tpu.memory_space<semaphore_mem>>)
          %add3A_235 = arith.constant 1 : i32
          %add3A_236 = arith.addi %add3A_186, %add3A_235 : i32
          %dma_start3A_237 = arith.constant 0 : i32
          %dma_start3A_238 = tpu.memref_slice %arg9[%add3A_236, %dma_start3A_237] : memref<125x80xi32, #tpu.memory_space<vmem>> -> memref<1x80xi32, #tpu.memory_space<vmem>>
          %dma_start3A_239 = tpu.memref_squeeze %dma_start3A_238 : memref<1x80xi32, #tpu.memory_space<vmem>> -> memref<80xi32, #tpu.memory_space<vmem>>
          %dma_start3A_240 = arith.constant 0 : i32
          %dma_start3A_241 = arith.constant 0 : i32
          %dma_start3A_242 = tpu.memref_slice %arg3[%dma_start3A_240, %dma_start3A_241] : memref<10000x16xf32, #tpu.memory_space<hbm>> -> memref<10000x16xf32, #tpu.memory_space<hbm>>
          tpu.enqueue_indirect_dma source(%dma_start3A_242 : memref<10000x16xf32, #tpu.memory_space<hbm>>) target(%arg12 : memref<80x16xf32, #tpu.memory_space<vmem>>) offsets(%dma_start3A_239 : memref<80xi32, #tpu.memory_space<vmem>>) semaphore(%arg19 : memref<!tpu.dma_semaphore, #tpu.memory_space<semaphore_mem>>)
        } else {
        }
        %dma_wait3A_199 = arith.constant 0 : i32
        %dma_wait3A_200 = tpu.memref_slice %arg8[%add3A_186, %dma_wait3A_199] : memref<125x80xi32, #tpu.memory_space<vmem>> -> memref<1x80xi32, #tpu.memory_space<vmem>>
        %dma_wait3A_201 = tpu.memref_squeeze %dma_wait3A_200 : memref<1x80xi32, #tpu.memory_space<vmem>> -> memref<80xi32, #tpu.memory_space<vmem>>
        %dma_wait3A_202 = arith.constant 0 : i32
        %dma_wait3A_203 = arith.constant 0 : i32
        %dma_wait3A_204 = tpu.memref_slice %arg2[%dma_wait3A_202, %dma_wait3A_203] : memref<10000x80xf32, #tpu.memory_space<hbm>> -> memref<10000x80xf32, #tpu.memory_space<hbm>>
        tpu.wait_indirect_dma semaphore(%arg18 : memref<!tpu.dma_semaphore, #tpu.memory_space<semaphore_mem>>) src(%dma_wait3A_204 : memref<10000x80xf32, #tpu.memory_space<hbm>>) dst(%arg11 : memref<80x80xf32, #tpu.memory_space<vmem>>)
        %dma_wait3A_205 = arith.constant 0 : i32
        %dma_wait3A_206 = tpu.memref_slice %arg9[%add3A_186, %dma_wait3A_205] : memref<125x80xi32, #tpu.memory_space<vmem>> -> memref<1x80xi32, #tpu.memory_space<vmem>>
        %dma_wait3A_207 = tpu.memref_squeeze %dma_wait3A_206 : memref<1x80xi32, #tpu.memory_space<vmem>> -> memref<80xi32, #tpu.memory_space<vmem>>
        %dma_wait3A_208 = arith.constant 0 : i32
        %dma_wait3A_209 = arith.constant 0 : i32
        %dma_wait3A_210 = tpu.memref_slice %arg3[%dma_wait3A_208, %dma_wait3A_209] : memref<10000x16xf32, #tpu.memory_space<hbm>> -> memref<10000x16xf32, #tpu.memory_space<hbm>>
        tpu.wait_indirect_dma semaphore(%arg20 : memref<!tpu.dma_semaphore, #tpu.memory_space<semaphore_mem>>) src(%dma_wait3A_210 : memref<10000x16xf32, #tpu.memory_space<hbm>>) dst(%arg13 : memref<80x16xf32, #tpu.memory_space<vmem>>)
        %ge3A = arith.constant 2 : i32
        %ge3A_211 = arith.cmpi sge, %add3A_186, %ge3A : i32
        %convert_element_type3A_212 = arith.extui %ge3A_211 : i1 to i32
        %cond3A_213 = arith.constant 0 : i32
        %cond3A_214 = arith.cmpi ne, %convert_element_type3A_212, %cond3A_213 : i32
        scf.if %cond3A_214 {
          %dma_wait3A_227 = arith.constant 0 : i32
          %dma_wait3A_228 = tpu.memref_slice %arg9[%add3A_186, %dma_wait3A_227] : memref<125x80xi32, #tpu.memory_space<vmem>> -> memref<1x80xi32, #tpu.memory_space<vmem>>
          %dma_wait3A_229 = tpu.memref_squeeze %dma_wait3A_228 : memref<1x80xi32, #tpu.memory_space<vmem>> -> memref<80xi32, #tpu.memory_space<vmem>>
          %dma_wait3A_230 = arith.constant 0 : i32
          %dma_wait3A_231 = arith.constant 0 : i32
          %dma_wait3A_232 = tpu.memref_slice %arg16[%dma_wait3A_230, %dma_wait3A_231] : memref<10240x80xf32, #tpu.memory_space<vmem_shared>> -> memref<10240x80xf32, #tpu.memory_space<vmem_shared>>
          tpu.wait_indirect_dma semaphore(%arg22 : memref<!tpu.dma_semaphore, #tpu.memory_space<semaphore_mem>>) src(%arg15 : memref<80x80xf32, #tpu.memory_space<vmem>>) dst(%dma_wait3A_232 : memref<10240x80xf32, #tpu.memory_space<vmem_shared>>)
        } else {
        }
        %scan3A_215 = arith.constant 0 : i32
        %scan3A_216 = arith.constant 0 : i32
        %scan3A_217 = arith.constant 80 : i32
        %scan3A_218 = arith.addi %scan3A_216, %scan3A_217 : i32
        %scan3A_219 = arith.constant 1 : i32
        scf.for %scan3A_227 = %scan3A_216 to %scan3A_218 step %scan3A_219  : i32 {
          %get3A = arith.index_cast %scan3A_227 : i32 to index
          %get3A_228 = arith.constant 64 : index
          %get3A_229 = tpu.vector_load %arg11[%get3A, %get3A_228] {strides = array<i32>} : memref<80x80xf32, #tpu.memory_space<vmem>>, vector<16xf32>,
          %get3A_230 = arith.index_cast %scan3A_227 : i32 to index
          %get3A_231 = arith.constant 0 : index
          %get3A_232 = tpu.vector_load %arg13[%get3A_230, %get3A_231] {strides = array<i32>} : memref<80x16xf32, #tpu.memory_space<vmem>>, vector<16xf32>,
          %add3A_233 = arith.addf %get3A_229, %get3A_232 : vector<16xf32>
          %mul3A_234 = arith.constant 2.000000e-01 : f32
          %mul3A_235 = vector.broadcast %mul3A_234 : f32 to vector<16xf32>
          %mul3A_236 = arith.mulf %mul3A_235, %add3A_233 : vector<16xf32>
          %max3A = arith.maximumf %add3A_233, %mul3A_236 : vector<16xf32>
          %exp3A = math.exp %max3A : vector<16xf32>
          %lt3A_237 = arith.constant 0 : i32
          %lt3A_238 = vector.broadcast %lt3A_237 : i32 to vector<16xi32>
          %lt3A_239 = arith.cmpi slt, %select_n3A, %lt3A_238 : vector<16xi32>
          %add3A_240 = arith.constant 16 : i32
          %add3A_241 = vector.broadcast %add3A_240 : i32 to vector<16xi32>
          %add3A_242 = arith.addi %select_n3A, %add3A_241 : vector<16xi32>
          %select_n3A_243 = arith.select %lt3A_239, %add3A_242, %select_n3A : vector<16xi1>, vector<16xi32>
          %reshape3A = vector.shape_cast %select_n3A_243 : vector<16xi32> to vector<16x1xi32>
          %gather3A = vector.shape_cast %reshape3A : vector<16x1xi32> to vector<16xi32>
          %gather3A_244 = tpu.dynamic_gather %exp3A[%gather3A] in [0] : vector<16xf32>, vector<16xi32> -> vector<16xf32>
          %get3A_245 = arith.index_cast %scan3A_227 : i32 to index
          %get3A_246 = arith.constant 0 : index
          %get3A_247 = tpu.vector_load %arg11[%get3A_245, %get3A_246] {strides = array<i32>} : memref<80x80xf32, #tpu.memory_space<vmem>>, vector<16xf32>,
          %mul3A_248 = arith.mulf %get3A_247, %gather3A_244 : vector<16xf32>
          %swap3A = arith.index_cast %scan3A_227 : i32 to index
          %swap3A_249 = arith.constant 0 : index
          %swap3A_250 = tpu.vector_load %arg15[%swap3A, %swap3A_249] {strides = array<i32>} : memref<80x80xf32, #tpu.memory_space<vmem>>, vector<16xf32>,
          tpu.vector_store %arg15[%swap3A, %swap3A_249], %mul3A_248 {strides = array<i32>} : memref<80x80xf32, #tpu.memory_space<vmem>>, vector<16xf32>,
          %lt3A_251 = arith.constant 0 : i32
          %lt3A_252 = vector.broadcast %lt3A_251 : i32 to vector<16xi32>
          %lt3A_253 = arith.cmpi slt, %select_n3A_69, %lt3A_252 : vector<16xi32>
          %add3A_254 = arith.constant 16 : i32
          %add3A_255 = vector.broadcast %add3A_254 : i32 to vector<16xi32>
          %add3A_256 = arith.addi %select_n3A_69, %add3A_255 : vector<16xi32>
          %select_n3A_257 = arith.select %lt3A_253, %add3A_256, %select_n3A_69 : vector<16xi1>, vector<16xi32>
          %reshape3A_258 = vector.shape_cast %select_n3A_257 : vector<16xi32> to vector<16x1xi32>
          %gather3A_259 = vector.shape_cast %reshape3A_258 : vector<16x1xi32> to vector<16xi32>
          %gather3A_260 = tpu.dynamic_gather %exp3A[%gather3A_259] in [0] : vector<16xf32>, vector<16xi32> -> vector<16xf32>
          %get3A_261 = arith.index_cast %scan3A_227 : i32 to index
          %get3A_262 = arith.constant 16 : index
          %get3A_263 = tpu.vector_load %arg11[%get3A_261, %get3A_262] {strides = array<i32>} : memref<80x80xf32, #tpu.memory_space<vmem>>, vector<16xf32>,
          %mul3A_264 = arith.mulf %get3A_263, %gather3A_260 : vector<16xf32>
          %swap3A_265 = arith.index_cast %scan3A_227 : i32 to index
          %swap3A_266 = arith.constant 16 : index
          %swap3A_267 = tpu.vector_load %arg15[%swap3A_265, %swap3A_266] {strides = array<i32>} : memref<80x80xf32, #tpu.memory_space<vmem>>, vector<16xf32>,
          tpu.vector_store %arg15[%swap3A_265, %swap3A_266], %mul3A_264 {strides = array<i32>} : memref<80x80xf32, #tpu.memory_space<vmem>>, vector<16xf32>,
          %lt3A_268 = arith.constant 0 : i32
          %lt3A_269 = vector.broadcast %lt3A_268 : i32 to vector<16xi32>
          %lt3A_270 = arith.cmpi slt, %select_n3A_104, %lt3A_269 : vector<16xi32>
          %add3A_271 = arith.constant 16 : i32
          %add3A_272 = vector.broadcast %add3A_271 : i32 to vector<16xi32>
          %add3A_273 = arith.addi %select_n3A_104, %add3A_272 : vector<16xi32>
          %select_n3A_274 = arith.select %lt3A_270, %add3A_273, %select_n3A_104 : vector<16xi1>, vector<16xi32>
          %reshape3A_275 = vector.shape_cast %select_n3A_274 : vector<16xi32> to vector<16x1xi32>
          %gather3A_276 = vector.shape_cast %reshape3A_275 : vector<16x1xi32> to vector<16xi32>
          %gather3A_277 = tpu.dynamic_gather %exp3A[%gather3A_276] in [0] : vector<16xf32>, vector<16xi32> -> vector<16xf32>
          %get3A_278 = arith.index_cast %scan3A_227 : i32 to index
          %get3A_279 = arith.constant 32 : index
          %get3A_280 = tpu.vector_load %arg11[%get3A_278, %get3A_279] {strides = array<i32>} : memref<80x80xf32, #tpu.memory_space<vmem>>, vector<16xf32>,
          %mul3A_281 = arith.mulf %get3A_280, %gather3A_277 : vector<16xf32>
          %swap3A_282 = arith.index_cast %scan3A_227 : i32 to index
          %swap3A_283 = arith.constant 32 : index
          %swap3A_284 = tpu.vector_load %arg15[%swap3A_282, %swap3A_283] {strides = array<i32>} : memref<80x80xf32, #tpu.memory_space<vmem>>, vector<16xf32>,
          tpu.vector_store %arg15[%swap3A_282, %swap3A_283], %mul3A_281 {strides = array<i32>} : memref<80x80xf32, #tpu.memory_space<vmem>>, vector<16xf32>,
          %lt3A_285 = arith.constant 0 : i32
          %lt3A_286 = vector.broadcast %lt3A_285 : i32 to vector<16xi32>
          %lt3A_287 = arith.cmpi slt, %select_n3A_139, %lt3A_286 : vector<16xi32>
          %add3A_288 = arith.constant 16 : i32
          %add3A_289 = vector.broadcast %add3A_288 : i32 to vector<16xi32>
          %add3A_290 = arith.addi %select_n3A_139, %add3A_289 : vector<16xi32>
          %select_n3A_291 = arith.select %lt3A_287, %add3A_290, %select_n3A_139 : vector<16xi1>, vector<16xi32>
          %reshape3A_292 = vector.shape_cast %select_n3A_291 : vector<16xi32> to vector<16x1xi32>
          %gather3A_293 = vector.shape_cast %reshape3A_292 : vector<16x1xi32> to vector<16xi32>
          %gather3A_294 = tpu.dynamic_gather %exp3A[%gather3A_293] in [0] : vector<16xf32>, vector<16xi32> -> vector<16xf32>
          %get3A_295 = arith.index_cast %scan3A_227 : i32 to index
          %get3A_296 = arith.constant 48 : index
          %get3A_297 = tpu.vector_load %arg11[%get3A_295, %get3A_296] {strides = array<i32>} : memref<80x80xf32, #tpu.memory_space<vmem>>, vector<16xf32>,
          %mul3A_298 = arith.mulf %get3A_297, %gather3A_294 : vector<16xf32>
          %swap3A_299 = arith.index_cast %scan3A_227 : i32 to index
          %swap3A_300 = arith.constant 48 : index
          %swap3A_301 = tpu.vector_load %arg15[%swap3A_299, %swap3A_300] {strides = array<i32>} : memref<80x80xf32, #tpu.memory_space<vmem>>, vector<16xf32>,
          tpu.vector_store %arg15[%swap3A_299, %swap3A_300], %mul3A_298 {strides = array<i32>} : memref<80x80xf32, #tpu.memory_space<vmem>>, vector<16xf32>,
          %swap3A_302 = arith.index_cast %scan3A_227 : i32 to index
          %swap3A_303 = arith.constant 64 : index
          %swap3A_304 = tpu.vector_load %arg15[%swap3A_302, %swap3A_303] {strides = array<i32>} : memref<80x80xf32, #tpu.memory_space<vmem>>, vector<16xf32>,
          tpu.vector_store %arg15[%swap3A_302, %swap3A_303], %exp3A {strides = array<i32>} : memref<80x80xf32, #tpu.memory_space<vmem>>, vector<16xf32>,
        }
        %scan3A_220 = arith.constant 80 : i32
        %dma_start3A_221 = arith.constant 0 : i32
        %dma_start3A_222 = tpu.memref_slice %arg9[%add3A_186, %dma_start3A_221] : memref<125x80xi32, #tpu.memory_space<vmem>> -> memref<1x80xi32, #tpu.memory_space<vmem>>
        %dma_start3A_223 = tpu.memref_squeeze %dma_start3A_222 : memref<1x80xi32, #tpu.memory_space<vmem>> -> memref<80xi32, #tpu.memory_space<vmem>>
        %dma_start3A_224 = arith.constant 0 : i32
        %dma_start3A_225 = arith.constant 0 : i32
        %dma_start3A_226 = tpu.memref_slice %arg16[%dma_start3A_224, %dma_start3A_225] : memref<10240x80xf32, #tpu.memory_space<vmem_shared>> -> memref<10240x80xf32, #tpu.memory_space<vmem_shared>>
        tpu.enqueue_indirect_dma source(%arg15 : memref<80x80xf32, #tpu.memory_space<vmem>>) target(%dma_start3A_226 : memref<10240x80xf32, #tpu.memory_space<vmem_shared>>) offsets(%dma_start3A_223 : memref<80xi32, #tpu.memory_space<vmem>>) semaphore(%arg22 : memref<!tpu.dma_semaphore, #tpu.memory_space<semaphore_mem>>) {add = true}
      } else {
      }
    }
    %scan3A_157 = arith.constant 63 : i32
    %dma_wait3A = arith.constant 0 : i32
    %dma_wait3A_158 = arith.constant 0 : i32
    %dma_wait3A_159 = tpu.memref_slice %arg9[%dma_wait3A, %dma_wait3A_158] : memref<125x80xi32, #tpu.memory_space<vmem>> -> memref<1x80xi32, #tpu.memory_space<vmem>>
    %dma_wait3A_160 = tpu.memref_squeeze %dma_wait3A_159 : memref<1x80xi32, #tpu.memory_space<vmem>> -> memref<80xi32, #tpu.memory_space<vmem>>
    %dma_wait3A_161 = arith.constant 0 : i32
    %dma_wait3A_162 = arith.constant 0 : i32
    %dma_wait3A_163 = tpu.memref_slice %arg16[%dma_wait3A_161, %dma_wait3A_162] : memref<10240x80xf32, #tpu.memory_space<vmem_shared>> -> memref<10240x80xf32, #tpu.memory_space<vmem_shared>>
    tpu.wait_indirect_dma semaphore(%arg21 : memref<!tpu.dma_semaphore, #tpu.memory_space<semaphore_mem>>) src(%arg14 : memref<80x80xf32, #tpu.memory_space<vmem>>) dst(%dma_wait3A_163 : memref<10240x80xf32, #tpu.memory_space<vmem_shared>>)
    %dma_wait3A_164 = arith.constant 1 : i32
    %dma_wait3A_165 = arith.constant 0 : i32
    %dma_wait3A_166 = tpu.memref_slice %arg9[%dma_wait3A_164, %dma_wait3A_165] : memref<125x80xi32, #tpu.memory_space<vmem>> -> memref<1x80xi32, #tpu.memory_space<vmem>>
    %dma_wait3A_167 = tpu.memref_squeeze %dma_wait3A_166 : memref<1x80xi32, #tpu.memory_space<vmem>> -> memref<80xi32, #tpu.memory_space<vmem>>
    %dma_wait3A_168 = arith.constant 0 : i32
    %dma_wait3A_169 = arith.constant 0 : i32
    %dma_wait3A_170 = tpu.memref_slice %arg16[%dma_wait3A_168, %dma_wait3A_169] : memref<10240x80xf32, #tpu.memory_space<vmem_shared>> -> memref<10240x80xf32, #tpu.memory_space<vmem_shared>>
    tpu.wait_indirect_dma semaphore(%arg22 : memref<!tpu.dma_semaphore, #tpu.memory_space<semaphore_mem>>) src(%arg15 : memref<80x80xf32, #tpu.memory_space<vmem>>) dst(%dma_wait3A_170 : memref<10240x80xf32, #tpu.memory_space<vmem_shared>>)
    %barrier3A_171 = arith.constant 0 : index
    tpu.barrier barrier_id(%barrier3A_171)
    %mul3A_172 = arith.constant 640 : i32
    %mul3A_173 = arith.muli %arg1, %mul3A_172 : i32
    %mul3A_174 = arith.constant 640 : i32
    %mul3A_175 = arith.muli %arg1, %mul3A_174 : i32
    "tpu.region"() ({
      %run_scoped3A = tpu.sem_alloc : memref<!tpu.dma_semaphore, #tpu.memory_space<semaphore_mem>>
      %dma_start3A_176 = arith.constant 0 : i32
      %dma_start3A_177 = tpu.memref_slice %arg7[%arg0, %mul3A_175, %dma_start3A_176] : memref<2x10240x80xf32, #tpu.memory_space<hbm>> -> memref<1x640x80xf32, #tpu.memory_space<hbm>>
      %dma_start3A_178 = tpu.memref_squeeze %dma_start3A_177 : memref<1x640x80xf32, #tpu.memory_space<hbm>> -> memref<640x80xf32, #tpu.memory_space<hbm>>
      %dma_start3A_179 = arith.constant 0 : i32
      %dma_start3A_180 = tpu.memref_slice %arg16[%mul3A_173, %dma_start3A_179] : memref<10240x80xf32, #tpu.memory_space<vmem_shared>> -> memref<640x80xf32, #tpu.memory_space<vmem_shared>>
      tpu.enqueue_dma source(%dma_start3A_180 : memref<640x80xf32, #tpu.memory_space<vmem_shared>>) target(%dma_start3A_178 : memref<640x80xf32, #tpu.memory_space<hbm>>) target_semaphore(%run_scoped3A : memref<!tpu.dma_semaphore, #tpu.memory_space<semaphore_mem>>)
      %dma_wait3A_181 = arith.constant 0 : i32
      %dma_wait3A_182 = tpu.memref_slice %arg7[%arg0, %mul3A_175, %dma_wait3A_181] : memref<2x10240x80xf32, #tpu.memory_space<hbm>> -> memref<1x640x80xf32, #tpu.memory_space<hbm>>
      %dma_wait3A_183 = tpu.memref_squeeze %dma_wait3A_182 : memref<1x640x80xf32, #tpu.memory_space<hbm>> -> memref<640x80xf32, #tpu.memory_space<hbm>>
      %dma_wait3A_184 = arith.constant 0 : i32
      %dma_wait3A_185 = tpu.memref_slice %arg16[%mul3A_173, %dma_wait3A_184] : memref<10240x80xf32, #tpu.memory_space<vmem_shared>> -> memref<640x80xf32, #tpu.memory_space<vmem_shared>>
      tpu.wait_dma2 semaphore(%run_scoped3A : memref<!tpu.dma_semaphore, #tpu.memory_space<semaphore_mem>>) src(%dma_wait3A_185 : memref<640x80xf32, #tpu.memory_space<vmem_shared>>) dst(%dma_wait3A_183 : memref<640x80xf32, #tpu.memory_space<hbm>>)
      tpu.yield
    }) : () -> ()
    return
  }
}

module attributes {stable_mosaic.version = 14 : i64} {
  func.func @_prep1_body(%arg0: i32, %arg1: memref<1000x128xf32, #tpu.memory_space<vmem>>, %arg2: memref<128x64xf32, #tpu.memory_space<vmem>>, %arg3: memref<64x16xf32, #tpu.memory_space<vmem>>, %arg4: memref<8x64xf32, #tpu.memory_space<vmem>>, %arg5: memref<1000x80xf32, #tpu.memory_space<vmem>>, %arg6: memref<1000x16xf32, #tpu.memory_space<vmem>>, %arg7: memref<1000x80xf32, #tpu.memory_space<vmem>>) attributes {dimension_semantics = [#tpu.dimension_semantics<arbitrary>], iteration_bounds = array<i64: 10>, scalar_prefetch = 0 : i64, scratch_operands = 0 : i64, tpu.core_type = #tpu.core_type<tc>, window_params = [{transform_indices = @transform_0, window_bounds = array<i64: 1000, 128>}, {pipeline_mode = #tpu.pipeline_mode<synchronous>, transform_indices = @transform_1, window_bounds = array<i64: 128, 64>}, {pipeline_mode = #tpu.pipeline_mode<synchronous>, transform_indices = @transform_2, window_bounds = array<i64: 64, 16>}, {pipeline_mode = #tpu.pipeline_mode<synchronous>, transform_indices = @transform_3, window_bounds = array<i64: 8, 64>}, {transform_indices = @transform_4, window_bounds = array<i64: 1000, 80>}, {transform_indices = @transform_5, window_bounds = array<i64: 1000, 16>}, {transform_indices = @transform_6, window_bounds = array<i64: 1000, 80>}]} {
    %get3A = arith.constant 0 : index
    %get3A_0 = arith.constant 0 : index
    %get3A_1 = vector.load %arg1[%get3A, %get3A_0] : memref<1000x128xf32, #tpu.memory_space<vmem>>, vector<1000x128xf32>
    %get3A_2 = arith.constant 0 : index
    %get3A_3 = arith.constant 0 : index
    %get3A_4 = vector.load %arg2[%get3A_2, %get3A_3] : memref<128x64xf32, #tpu.memory_space<vmem>>, vector<128x64xf32>
    %dot_general3A = arith.constant dense<0.000000e+00> : vector<1000x64xf32>
    %dot_general3A_5 = tpu.matmul %get3A_1, %get3A_4, %dot_general3A {dimension_numbers = #tpu.dot_dimension_numbers<[1], [0], [0], [1], [0, 0, 1, 1], [], []>, transpose_lhs_hint = false} : vector<1000x128xf32>, vector<128x64xf32>, vector<1000x64xf32> -> vector<1000x64xf32>
    %get3A_6 = arith.constant 0 : index
    %get3A_7 = arith.constant 0 : index
    %get3A_8 = vector.load %arg3[%get3A_6, %get3A_7] : memref<64x16xf32, #tpu.memory_space<vmem>>, vector<64x16xf32>
    %dot_general3A_9 = arith.constant dense<0.000000e+00> : vector<1000x16xf32>
    %dot_general3A_10 = tpu.matmul %dot_general3A_5, %get3A_8, %dot_general3A_9 {dimension_numbers = #tpu.dot_dimension_numbers<[1], [0], [0], [1], [0, 0, 1, 1], [], []>, transpose_lhs_hint = false} : vector<1000x64xf32>, vector<64x16xf32>, vector<1000x16xf32> -> vector<1000x16xf32>
    %slice3A = vector.extract_strided_slice %dot_general3A_10 {offsets = [0, 0], sizes = [1000, 8], strides = [1, 1]} : vector<1000x16xf32> to vector<1000x8xf32>
    %slice3A_11 = vector.extract_strided_slice %dot_general3A_10 {offsets = [0, 8], sizes = [1000, 8], strides = [1, 1]} : vector<1000x16xf32> to vector<1000x8xf32>
    %add3A = arith.addf %slice3A, %slice3A_11 : vector<1000x8xf32>
    %mul3A = arith.constant 2.000000e-01 : f32
    %mul3A_12 = vector.broadcast %mul3A : f32 to vector<1000x8xf32>
    %mul3A_13 = arith.mulf %mul3A_12, %add3A : vector<1000x8xf32>
    %max3A = arith.maximumf %add3A, %mul3A_13 : vector<1000x8xf32>
    %exp3A = math.exp %max3A : vector<1000x8xf32>
    %get3A_14 = arith.constant 0 : index
    %get3A_15 = arith.constant 0 : index
    %get3A_16 = vector.load %arg4[%get3A_14, %get3A_15] : memref<8x64xf32, #tpu.memory_space<vmem>>, vector<8x64xf32>
    %dot_general3A_17 = arith.constant dense<0.000000e+00> : vector<1000x64xf32>
    %dot_general3A_18 = tpu.matmul %exp3A, %get3A_16, %dot_general3A_17 {dimension_numbers = #tpu.dot_dimension_numbers<[1], [0], [0], [1], [0, 0, 1, 1], [], []>, transpose_lhs_hint = false} : vector<1000x8xf32>, vector<8x64xf32>, vector<1000x64xf32> -> vector<1000x64xf32>
    %broadcast_in_dim3A = arith.constant 0.000000e+00 : f32
    %broadcast_in_dim3A_19 = vector.broadcast %broadcast_in_dim3A : f32 to vector<1000x8xf32>
    %concatenate3A = tpu.concatenate %dot_general3A_5, %slice3A, %broadcast_in_dim3A_19 in 1 : vector<1000x64xf32>, vector<1000x8xf32>, vector<1000x8xf32> -> vector<1000x80xf32>
    %swap3A = arith.constant 0 : index
    %swap3A_20 = arith.constant 0 : index
    %swap3A_21 = vector.load %arg5[%swap3A, %swap3A_20] : memref<1000x80xf32, #tpu.memory_space<vmem>>, vector<1000x80xf32>
    tpu.vector_store %arg5[%swap3A, %swap3A_20], %concatenate3A {strides = array<i32>} : memref<1000x80xf32, #tpu.memory_space<vmem>>, vector<1000x80xf32>,
    %concatenate3A_22 = tpu.concatenate %slice3A_11, %broadcast_in_dim3A_19 in 1 : vector<1000x8xf32>, vector<1000x8xf32> -> vector<1000x16xf32>
    %swap3A_23 = arith.constant 0 : index
    %swap3A_24 = arith.constant 0 : index
    %swap3A_25 = vector.load %arg6[%swap3A_23, %swap3A_24] : memref<1000x16xf32, #tpu.memory_space<vmem>>, vector<1000x16xf32>
    tpu.vector_store %arg6[%swap3A_23, %swap3A_24], %concatenate3A_22 {strides = array<i32>} : memref<1000x16xf32, #tpu.memory_space<vmem>>, vector<1000x16xf32>,
    %mul3A_26 = arith.mulf %dot_general3A_5, %dot_general3A_18 : vector<1000x64xf32>
    %concatenate3A_27 = tpu.concatenate %mul3A_26, %exp3A, %broadcast_in_dim3A_19 in 1 : vector<1000x64xf32>, vector<1000x8xf32>, vector<1000x8xf32> -> vector<1000x80xf32>
    %swap3A_28 = arith.constant 0 : index
    %swap3A_29 = arith.constant 0 : index
    %swap3A_30 = vector.load %arg7[%swap3A_28, %swap3A_29] : memref<1000x80xf32, #tpu.memory_space<vmem>>, vector<1000x80xf32>
    tpu.vector_store %arg7[%swap3A_28, %swap3A_29], %concatenate3A_27 {strides = array<i32>} : memref<1000x80xf32, #tpu.memory_space<vmem>>, vector<1000x80xf32>,
    return
  }
  func.func @transform_0(%arg0: i32) -> (i32, i32) {
    %c0_i32 = arith.constant 0 : i32
    %c0_i32_0 = arith.constant 0 : i32
    return %arg0, %c0_i32 : i32, i32
  }
  func.func @transform_1(%arg0: i32) -> (i32, i32) {
    %c0_i32 = arith.constant 0 : i32
    %c0_i32_0 = arith.constant 0 : i32
    %c0_i32_1 = arith.constant 0 : i32
    return %c0_i32, %c0_i32_0 : i32, i32
  }
  func.func @transform_2(%arg0: i32) -> (i32, i32) {
    %c0_i32 = arith.constant 0 : i32
    %c0_i32_0 = arith.constant 0 : i32
    %c0_i32_1 = arith.constant 0 : i32
    return %c0_i32, %c0_i32_0 : i32, i32
  }
  func.func @transform_3(%arg0: i32) -> (i32, i32) {
    %c0_i32 = arith.constant 0 : i32
    %c0_i32_0 = arith.constant 0 : i32
    %c0_i32_1 = arith.constant 0 : i32
    return %c0_i32, %c0_i32_0 : i32, i32
  }
  func.func @transform_4(%arg0: i32) -> (i32, i32) {
    %c0_i32 = arith.constant 0 : i32
    %c0_i32_0 = arith.constant 0 : i32
    return %arg0, %c0_i32 : i32, i32
  }
  func.func @transform_5(%arg0: i32) -> (i32, i32) {
    %c0_i32 = arith.constant 0 : i32
    %c0_i32_0 = arith.constant 0 : i32
    return %arg0, %c0_i32 : i32, i32
  }
  func.func @transform_6(%arg0: i32) -> (i32, i32) {
    %c0_i32 = arith.constant 0 : i32
    %c0_i32_0 = arith.constant 0 : i32
    return %arg0, %c0_i32 : i32, i32
  }
}

module attributes {stable_mosaic.version = 14 : i64} {
  func.func @_mid_body(%arg0: i32, %arg1: memref<2x1000x80xf32, #tpu.memory_space<vmem>>, %arg2: memref<1000x80xf32, #tpu.memory_space<vmem>>, %arg3: memref<1x64xf32, #tpu.memory_space<vmem>>, %arg4: memref<64x64xf32, #tpu.memory_space<vmem>>, %arg5: memref<64x16xf32, #tpu.memory_space<vmem>>, %arg6: memref<8x64xf32, #tpu.memory_space<vmem>>, %arg7: memref<8x64xf32, #tpu.memory_space<vmem>>, %arg8: memref<1000x80xf32, #tpu.memory_space<vmem>>, %arg9: memref<1000x16xf32, #tpu.memory_space<vmem>>, %arg10: memref<1000x80xf32, #tpu.memory_space<vmem>>) attributes {dimension_semantics = [#tpu.dimension_semantics<arbitrary>], iteration_bounds = array<i64: 10>, scalar_prefetch = 0 : i64, scratch_operands = 0 : i64, tpu.core_type = #tpu.core_type<tc>, window_params = [{transform_indices = @transform_0, window_bounds = array<i64: 2, 1000, 80>}, {transform_indices = @transform_1, window_bounds = array<i64: 1000, 80>}, {pipeline_mode = #tpu.pipeline_mode<synchronous>, transform_indices = @transform_2, window_bounds = array<i64: 1, 64>}, {pipeline_mode = #tpu.pipeline_mode<synchronous>, transform_indices = @transform_3, window_bounds = array<i64: 64, 64>}, {pipeline_mode = #tpu.pipeline_mode<synchronous>, transform_indices = @transform_4, window_bounds = array<i64: 64, 16>}, {pipeline_mode = #tpu.pipeline_mode<synchronous>, transform_indices = @transform_5, window_bounds = array<i64: 8, 64>}, {pipeline_mode = #tpu.pipeline_mode<synchronous>, transform_indices = @transform_6, window_bounds = array<i64: 8, 64>}, {transform_indices = @transform_7, window_bounds = array<i64: 1000, 80>}, {transform_indices = @transform_8, window_bounds = array<i64: 1000, 16>}, {transform_indices = @transform_9, window_bounds = array<i64: 1000, 80>}]} {
    %get3A = arith.constant 0 : index
    %get3A_0 = arith.constant 0 : index
    %get3A_1 = arith.constant 0 : index
    %get3A_2 = vector.load %arg1[%get3A, %get3A_0, %get3A_1] : memref<2x1000x80xf32, #tpu.memory_space<vmem>>, vector<1x1000x80xf32>
    %get3A_3 = vector.shape_cast %get3A_2 : vector<1x1000x80xf32> to vector<1000x80xf32>
    %get3A_4 = arith.constant 1 : index
    %get3A_5 = arith.constant 0 : index
    %get3A_6 = arith.constant 0 : index
    %get3A_7 = vector.load %arg1[%get3A_4, %get3A_5, %get3A_6] : memref<2x1000x80xf32, #tpu.memory_space<vmem>>, vector<1x1000x80xf32>
    %get3A_8 = vector.shape_cast %get3A_7 : vector<1x1000x80xf32> to vector<1000x80xf32>
    %add3A = arith.addf %get3A_3, %get3A_8 : vector<1000x80xf32>
    %get3A_9 = arith.constant 0 : index
    %get3A_10 = arith.constant 0 : index
    %get3A_11 = vector.load %arg2[%get3A_9, %get3A_10] : memref<1000x80xf32, #tpu.memory_space<vmem>>, vector<1000x80xf32>
    %add3A_12 = arith.addf %add3A, %get3A_11 : vector<1000x80xf32>
    %slice3A = vector.extract_strided_slice %add3A_12 {offsets = [0, 64], sizes = [1000, 8], strides = [1, 1]} : vector<1000x80xf32> to vector<1000x8xf32>
    %get3A_13 = arith.constant 0 : index
    %get3A_14 = arith.constant 0 : index
    %get3A_15 = vector.load %arg6[%get3A_13, %get3A_14] : memref<8x64xf32, #tpu.memory_space<vmem>>, vector<8x64xf32>
    %dot_general3A = arith.constant dense<0.000000e+00> : vector<1000x64xf32>
    %dot_general3A_16 = tpu.matmul %slice3A, %get3A_15, %dot_general3A {dimension_numbers = #tpu.dot_dimension_numbers<[1], [0], [0], [1], [0, 0, 1, 1], [], []>, transpose_lhs_hint = false} : vector<1000x8xf32>, vector<8x64xf32>, vector<1000x64xf32> -> vector<1000x64xf32>
    %add3A_17 = arith.constant 1.000000e-16 : f32
    %add3A_18 = vector.broadcast %add3A_17 : f32 to vector<1000x64xf32>
    %add3A_19 = arith.addf %dot_general3A_16, %add3A_18 : vector<1000x64xf32>
    %slice3A_20 = vector.extract_strided_slice %add3A_12 {offsets = [0, 0], sizes = [1000, 64], strides = [1, 1]} : vector<1000x80xf32> to vector<1000x64xf32>
    %div3A = arith.divf %slice3A_20, %add3A_19 : vector<1000x64xf32>
    %get3A_21 = arith.constant 0 : index
    %get3A_22 = arith.constant 0 : index
    %get3A_23 = vector.load %arg3[%get3A_21, %get3A_22] : memref<1x64xf32, #tpu.memory_space<vmem>>, vector<1x64xf32>
    %add3A_24 = vector.broadcast %get3A_23 : vector<1x64xf32> to vector<1000x64xf32>
    %add3A_25 = arith.addf %div3A, %add3A_24 : vector<1000x64xf32>
    %gt3A = arith.constant 0.000000e+00 : f32
    %gt3A_26 = vector.broadcast %gt3A : f32 to vector<1000x64xf32>
    %gt3A_27 = arith.cmpf ogt, %add3A_25, %gt3A_26 : vector<1000x64xf32>
    %exp3A = math.exp %add3A_25 : vector<1000x64xf32>
    %sub3A = arith.constant 1.000000e+00 : f32
    %sub3A_28 = vector.broadcast %sub3A : f32 to vector<1000x64xf32>
    %sub3A_29 = arith.subf %exp3A, %sub3A_28 : vector<1000x64xf32>
    %select_n3A = arith.select %gt3A_27, %add3A_25, %sub3A_29 : vector<1000x64xi1>, vector<1000x64xf32>
    %get3A_30 = arith.constant 0 : index
    %get3A_31 = arith.constant 0 : index
    %get3A_32 = vector.load %arg4[%get3A_30, %get3A_31] : memref<64x64xf32, #tpu.memory_space<vmem>>, vector<64x64xf32>
    %dot_general3A_33 = arith.constant dense<0.000000e+00> : vector<1000x64xf32>
    %dot_general3A_34 = tpu.matmul %select_n3A, %get3A_32, %dot_general3A_33 {dimension_numbers = #tpu.dot_dimension_numbers<[1], [0], [0], [1], [0, 0, 1, 1], [], []>, transpose_lhs_hint = false} : vector<1000x64xf32>, vector<64x64xf32>, vector<1000x64xf32> -> vector<1000x64xf32>
    %get3A_35 = arith.constant 0 : index
    %get3A_36 = arith.constant 0 : index
    %get3A_37 = vector.load %arg5[%get3A_35, %get3A_36] : memref<64x16xf32, #tpu.memory_space<vmem>>, vector<64x16xf32>
    %dot_general3A_38 = arith.constant dense<0.000000e+00> : vector<1000x16xf32>
    %dot_general3A_39 = tpu.matmul %dot_general3A_34, %get3A_37, %dot_general3A_38 {dimension_numbers = #tpu.dot_dimension_numbers<[1], [0], [0], [1], [0, 0, 1, 1], [], []>, transpose_lhs_hint = false} : vector<1000x64xf32>, vector<64x16xf32>, vector<1000x16xf32> -> vector<1000x16xf32>
    %slice3A_40 = vector.extract_strided_slice %dot_general3A_39 {offsets = [0, 0], sizes = [1000, 8], strides = [1, 1]} : vector<1000x16xf32> to vector<1000x8xf32>
    %slice3A_41 = vector.extract_strided_slice %dot_general3A_39 {offsets = [0, 8], sizes = [1000, 8], strides = [1, 1]} : vector<1000x16xf32> to vector<1000x8xf32>
    %add3A_42 = arith.addf %slice3A_40, %slice3A_41 : vector<1000x8xf32>
    %mul3A = arith.constant 2.000000e-01 : f32
    %mul3A_43 = vector.broadcast %mul3A : f32 to vector<1000x8xf32>
    %mul3A_44 = arith.mulf %mul3A_43, %add3A_42 : vector<1000x8xf32>
    %max3A = arith.maximumf %add3A_42, %mul3A_44 : vector<1000x8xf32>
    %exp3A_45 = math.exp %max3A : vector<1000x8xf32>
    %get3A_46 = arith.constant 0 : index
    %get3A_47 = arith.constant 0 : index
    %get3A_48 = vector.load %arg7[%get3A_46, %get3A_47] : memref<8x64xf32, #tpu.memory_space<vmem>>, vector<8x64xf32>
    %dot_general3A_49 = arith.constant dense<0.000000e+00> : vector<1000x64xf32>
    %dot_general3A_50 = tpu.matmul %exp3A_45, %get3A_48, %dot_general3A_49 {dimension_numbers = #tpu.dot_dimension_numbers<[1], [0], [0], [1], [0, 0, 1, 1], [], []>, transpose_lhs_hint = false} : vector<1000x8xf32>, vector<8x64xf32>, vector<1000x64xf32> -> vector<1000x64xf32>
    %broadcast_in_dim3A = arith.constant 0.000000e+00 : f32
    %broadcast_in_dim3A_51 = vector.broadcast %broadcast_in_dim3A : f32 to vector<1000x8xf32>
    %concatenate3A = tpu.concatenate %dot_general3A_34, %slice3A_40, %broadcast_in_dim3A_51 in 1 : vector<1000x64xf32>, vector<1000x8xf32>, vector<1000x8xf32> -> vector<1000x80xf32>
    %swap3A = arith.constant 0 : index
    %swap3A_52 = arith.constant 0 : index
    %swap3A_53 = vector.load %arg8[%swap3A, %swap3A_52] : memref<1000x80xf32, #tpu.memory_space<vmem>>, vector<1000x80xf32>
    tpu.vector_store %arg8[%swap3A, %swap3A_52], %concatenate3A {strides = array<i32>} : memref<1000x80xf32, #tpu.memory_space<vmem>>, vector<1000x80xf32>,
    %concatenate3A_54 = tpu.concatenate %slice3A_41, %broadcast_in_dim3A_51 in 1 : vector<1000x8xf32>, vector<1000x8xf32> -> vector<1000x16xf32>
    %swap3A_55 = arith.constant 0 : index
    %swap3A_56 = arith.constant 0 : index
    %swap3A_57 = vector.load %arg9[%swap3A_55, %swap3A_56] : memref<1000x16xf32, #tpu.memory_space<vmem>>, vector<1000x16xf32>
    tpu.vector_store %arg9[%swap3A_55, %swap3A_56], %concatenate3A_54 {strides = array<i32>} : memref<1000x16xf32, #tpu.memory_space<vmem>>, vector<1000x16xf32>,
    %mul3A_58 = arith.mulf %dot_general3A_34, %dot_general3A_50 : vector<1000x64xf32>
    %concatenate3A_59 = tpu.concatenate %mul3A_58, %exp3A_45, %broadcast_in_dim3A_51 in 1 : vector<1000x64xf32>, vector<1000x8xf32>, vector<1000x8xf32> -> vector<1000x80xf32>
    %swap3A_60 = arith.constant 0 : index
    %swap3A_61 = arith.constant 0 : index
    %swap3A_62 = vector.load %arg10[%swap3A_60, %swap3A_61] : memref<1000x80xf32, #tpu.memory_space<vmem>>, vector<1000x80xf32>
    tpu.vector_store %arg10[%swap3A_60, %swap3A_61], %concatenate3A_59 {strides = array<i32>} : memref<1000x80xf32, #tpu.memory_space<vmem>>, vector<1000x80xf32>,
    return
  }
  func.func @transform_0(%arg0: i32) -> (i32, i32, i32) {
    %c0_i32 = arith.constant 0 : i32
    %c0_i32_0 = arith.constant 0 : i32
    %c0_i32_1 = arith.constant 0 : i32
    return %c0_i32, %arg0, %c0_i32_0 : i32, i32, i32
  }
  func.func @transform_1(%arg0: i32) -> (i32, i32) {
    %c0_i32 = arith.constant 0 : i32
    %c0_i32_0 = arith.constant 0 : i32
    return %arg0, %c0_i32 : i32, i32
  }
  func.func @transform_2(%arg0: i32) -> (i32, i32) {
    %c0_i32 = arith.constant 0 : i32
    %c0_i32_0 = arith.constant 0 : i32
    %c0_i32_1 = arith.constant 0 : i32
    return %c0_i32, %c0_i32_0 : i32, i32
  }
  func.func @transform_3(%arg0: i32) -> (i32, i32) {
    %c0_i32 = arith.constant 0 : i32
    %c0_i32_0 = arith.constant 0 : i32
    %c0_i32_1 = arith.constant 0 : i32
    return %c0_i32, %c0_i32_0 : i32, i32
  }
  func.func @transform_4(%arg0: i32) -> (i32, i32) {
    %c0_i32 = arith.constant 0 : i32
    %c0_i32_0 = arith.constant 0 : i32
    %c0_i32_1 = arith.constant 0 : i32
    return %c0_i32, %c0_i32_0 : i32, i32
  }
  func.func @transform_5(%arg0: i32) -> (i32, i32) {
    %c0_i32 = arith.constant 0 : i32
    %c0_i32_0 = arith.constant 0 : i32
    %c0_i32_1 = arith.constant 0 : i32
    return %c0_i32, %c0_i32_0 : i32, i32
  }
  func.func @transform_6(%arg0: i32) -> (i32, i32) {
    %c0_i32 = arith.constant 0 : i32
    %c0_i32_0 = arith.constant 0 : i32
    %c0_i32_1 = arith.constant 0 : i32
    return %c0_i32, %c0_i32_0 : i32, i32
  }
  func.func @transform_7(%arg0: i32) -> (i32, i32) {
    %c0_i32 = arith.constant 0 : i32
    %c0_i32_0 = arith.constant 0 : i32
    return %arg0, %c0_i32 : i32, i32
  }
  func.func @transform_8(%arg0: i32) -> (i32, i32) {
    %c0_i32 = arith.constant 0 : i32
    %c0_i32_0 = arith.constant 0 : i32
    return %arg0, %c0_i32 : i32, i32
  }
  func.func @transform_9(%arg0: i32) -> (i32, i32) {
    %c0_i32 = arith.constant 0 : i32
    %c0_i32_0 = arith.constant 0 : i32
    return %arg0, %c0_i32 : i32, i32
  }
}

module attributes {stable_mosaic.version = 14 : i64} {
  func.func @_final_body(%arg0: i32, %arg1: memref<2x1000x80xf32, #tpu.memory_space<vmem>>, %arg2: memref<1000x80xf32, #tpu.memory_space<vmem>>, %arg3: memref<1x64xf32, #tpu.memory_space<vmem>>, %arg4: memref<8x64xf32, #tpu.memory_space<vmem>>, %arg5: memref<1000x64xf32, #tpu.memory_space<vmem>>) attributes {dimension_semantics = [#tpu.dimension_semantics<arbitrary>], iteration_bounds = array<i64: 10>, scalar_prefetch = 0 : i64, scratch_operands = 0 : i64, tpu.core_type = #tpu.core_type<tc>, window_params = [{transform_indices = @transform_0, window_bounds = array<i64: 2, 1000, 80>}, {transform_indices = @transform_1, window_bounds = array<i64: 1000, 80>}, {pipeline_mode = #tpu.pipeline_mode<synchronous>, transform_indices = @transform_2, window_bounds = array<i64: 1, 64>}, {pipeline_mode = #tpu.pipeline_mode<synchronous>, transform_indices = @transform_3, window_bounds = array<i64: 8, 64>}, {transform_indices = @transform_4, window_bounds = array<i64: 1000, 64>}]} {
    %get3A = arith.constant 0 : index
    %get3A_0 = arith.constant 0 : index
    %get3A_1 = arith.constant 0 : index
    %get3A_2 = vector.load %arg1[%get3A, %get3A_0, %get3A_1] : memref<2x1000x80xf32, #tpu.memory_space<vmem>>, vector<1x1000x80xf32>
    %get3A_3 = vector.shape_cast %get3A_2 : vector<1x1000x80xf32> to vector<1000x80xf32>
    %get3A_4 = arith.constant 1 : index
    %get3A_5 = arith.constant 0 : index
    %get3A_6 = arith.constant 0 : index
    %get3A_7 = vector.load %arg1[%get3A_4, %get3A_5, %get3A_6] : memref<2x1000x80xf32, #tpu.memory_space<vmem>>, vector<1x1000x80xf32>
    %get3A_8 = vector.shape_cast %get3A_7 : vector<1x1000x80xf32> to vector<1000x80xf32>
    %add3A = arith.addf %get3A_3, %get3A_8 : vector<1000x80xf32>
    %get3A_9 = arith.constant 0 : index
    %get3A_10 = arith.constant 0 : index
    %get3A_11 = vector.load %arg2[%get3A_9, %get3A_10] : memref<1000x80xf32, #tpu.memory_space<vmem>>, vector<1000x80xf32>
    %add3A_12 = arith.addf %add3A, %get3A_11 : vector<1000x80xf32>
    %slice3A = vector.extract_strided_slice %add3A_12 {offsets = [0, 64], sizes = [1000, 8], strides = [1, 1]} : vector<1000x80xf32> to vector<1000x8xf32>
    %get3A_13 = arith.constant 0 : index
    %get3A_14 = arith.constant 0 : index
    %get3A_15 = vector.load %arg4[%get3A_13, %get3A_14] : memref<8x64xf32, #tpu.memory_space<vmem>>, vector<8x64xf32>
    %dot_general3A = arith.constant dense<0.000000e+00> : vector<1000x64xf32>
    %dot_general3A_16 = tpu.matmul %slice3A, %get3A_15, %dot_general3A {dimension_numbers = #tpu.dot_dimension_numbers<[1], [0], [0], [1], [0, 0, 1, 1], [], []>, transpose_lhs_hint = false} : vector<1000x8xf32>, vector<8x64xf32>, vector<1000x64xf32> -> vector<1000x64xf32>
    %add3A_17 = arith.constant 1.000000e-16 : f32
    %add3A_18 = vector.broadcast %add3A_17 : f32 to vector<1000x64xf32>
    %add3A_19 = arith.addf %dot_general3A_16, %add3A_18 : vector<1000x64xf32>
    %slice3A_20 = vector.extract_strided_slice %add3A_12 {offsets = [0, 0], sizes = [1000, 64], strides = [1, 1]} : vector<1000x80xf32> to vector<1000x64xf32>
    %div3A = arith.divf %slice3A_20, %add3A_19 : vector<1000x64xf32>
    %get3A_21 = arith.constant 0 : index
    %get3A_22 = arith.constant 0 : index
    %get3A_23 = vector.load %arg3[%get3A_21, %get3A_22] : memref<1x64xf32, #tpu.memory_space<vmem>>, vector<1x64xf32>
    %add3A_24 = vector.broadcast %get3A_23 : vector<1x64xf32> to vector<1000x64xf32>
    %add3A_25 = arith.addf %div3A, %add3A_24 : vector<1000x64xf32>
    %reduce_max3A = arith.constant dense<0xFF800000> : vector<1000xf32>
    %reduce_max3A_26 = vector.multi_reduction <maximumf>, %add3A_25, %reduce_max3A [1] : vector<1000x64xf32> to vector<1000xf32>
    %broadcast_in_dim3A = vector.shape_cast %reduce_max3A_26 : vector<1000xf32> to vector<1000x1xf32>
    %sub3A = vector.broadcast %broadcast_in_dim3A : vector<1000x1xf32> to vector<1000x64xf32>
    %sub3A_27 = arith.subf %add3A_25, %sub3A : vector<1000x64xf32>
    %exp3A = math.exp %sub3A_27 : vector<1000x64xf32>
    %reduce_sum3A = arith.constant dense<0.000000e+00> : vector<1000xf32>
    %reduce_sum3A_28 = vector.multi_reduction <add>, %exp3A, %reduce_sum3A [1] : vector<1000x64xf32> to vector<1000xf32>
    %broadcast_in_dim3A_29 = vector.shape_cast %reduce_sum3A_28 : vector<1000xf32> to vector<1000x1xf32>
    %log3A = math.log %broadcast_in_dim3A_29 : vector<1000x1xf32>
    %sub3A_30 = vector.broadcast %log3A : vector<1000x1xf32> to vector<1000x64xf32>
    %sub3A_31 = arith.subf %sub3A_27, %sub3A_30 : vector<1000x64xf32>
    %swap3A = arith.constant 0 : index
    %swap3A_32 = arith.constant 0 : index
    %swap3A_33 = vector.load %arg5[%swap3A, %swap3A_32] : memref<1000x64xf32, #tpu.memory_space<vmem>>, vector<1000x64xf32>
    tpu.vector_store %arg5[%swap3A, %swap3A_32], %sub3A_31 {strides = array<i32>} : memref<1000x64xf32, #tpu.memory_space<vmem>>, vector<1000x64xf32>,
    return
  }
  func.func @transform_0(%arg0: i32) -> (i32, i32, i32) {
    %c0_i32 = arith.constant 0 : i32
    %c0_i32_0 = arith.constant 0 : i32
    %c0_i32_1 = arith.constant 0 : i32
    return %c0_i32, %arg0, %c0_i32_0 : i32, i32, i32
  }
  func.func @transform_1(%arg0: i32) -> (i32, i32) {
    %c0_i32 = arith.constant 0 : i32
    %c0_i32_0 = arith.constant 0 : i32
    return %arg0, %c0_i32 : i32, i32
  }
  func.func @transform_2(%arg0: i32) -> (i32, i32) {
    %c0_i32 = arith.constant 0 : i32
    %c0_i32_0 = arith.constant 0 : i32
    %c0_i32_1 = arith.constant 0 : i32
    return %c0_i32, %c0_i32_0 : i32, i32
  }
  func.func @transform_3(%arg0: i32) -> (i32, i32) {
    %c0_i32 = arith.constant 0 : i32
    %c0_i32_0 = arith.constant 0 : i32
    %c0_i32_1 = arith.constant 0 : i32
    return %c0_i32, %c0_i32_0 : i32, i32
  }
  func.func @transform_4(%arg0: i32) -> (i32, i32) {
    %c0_i32 = arith.constant 0 : i32
    %c0_i32_0 = arith.constant 0 : i32
    return %arg0, %c0_i32 : i32, i32
  }
}

</mosaic_0001>

<sc_bundles>
// kernel: kernel.10.cloned.1.call-start
scs
__scs_entry_jumppad:
0x0: {  	(pc) =	sbr.rel $0x88, $3  }
0x1: {  	(tag) =	ssettag $0x0;
	lr =	simm.s32 $0x1  }
0x2: {  	[smem:$0x3F97] =	sst lr;
	_ =	strace $0xD0000000  }
0x3: {  	_ = 	snop  }
0x4: {  	_ = 	snop  }
0x5: {  	_ = 	snop  }
0x6: {  	_ = 	snop  }
0x7: {  	_ = 	snop  }
__scs_overlays_trampoline_lowered:
0x8: {  	[smem:$0x3FA6] =	sst s0  }
0x9: {  	[smem:$0x3FA7] =	sst s1  }
0xa: {  	[smem:$0x3FA8] =	sst s2  }
0xb: {  	[smem:$0x3FA9] =	sst s3  }
0xc: {  	[smem:$0x3FAA] =	sst s4  }
0xd: {  	[smem:$0x3FAB] =	sst s5  }
0xe: {  	[smem:$0x3FAC] =	sst s6  }
0xf: {  	[smem:$0x3FAD] =	sst s7  }
0x10: {  	[smem:$0x3FAE] =	sst s8  }
0x11: {  	[smem:$0x3FAF] =	sst s9;
	s0 =	simm.s32 @!p0 $0x0  }
0x12: {  	s1 =	sld [smem:$0x3F95];
	s0 =	simm.s32 @p0 $0x1  }
0x13: {  	[smem:$0x3FB0] =	sst s0;
	s0 =	simm.s32 @!p1 $0x0  }
0x14: {  	s2 =	sld [smem:$0x3F94];
	s0 =	simm.s32 @p1 $0x1  }
0x15: {  	[smem:$0x3FB1] =	sst s0;
	s0 =	simm.s32 @!p2 $0x0  }
0x16: {  	s3 =	sld [smem:$0x3FDB];
	s0 =	simm.s32 @p2 $0x1  }
0x17: {  	s4 =	simm.s32 $0x1BF5;
	[smem:$0x3FB3] =	sst s0  }
0x18: {  	s0 =	sld [smem:$0x3F96];
	_ =	swait.ge [sflag:s4], $0x0  }
0x19: {  	s7 =	sld [smem:$0x3F97]  }
0x1a: {  	s8 =	sadd.s32 $0xFFFFE003, lr  }
0x1b: {  	s9 =	sadd.s32 $0xFFFFFEF7, lr;
	s5 =	simm.s32 $0xFFFFFFFF;
	p2 =	slt.u32 s8, $0xFFFFF086  }
0x1c: {  	p1 =	slt.u32 s9, $0xF7A;
	s5 =	simm.s32 @!p2 $0x0  }
0x1d: {  	s5 =	simm.s32 @p1 $0x1;
	p0 =	seq.s32 s7, s2  }
0x1e: {  	s7 =	smul.u32 @!p0 $0xF7A, s2;
	p2 =	seq.s32 @!p0 s5, $0x0  }
0x1f: {  	s9 =	smul.u32 $0xF7A, s1;
	s8 =	simm.s32 @!p0 $0x1BF5;
	p2 =	por !p2, p0  }
0x20: {  	[sflag:s8] =	ssyncset.s32 @!p0 $0xFFFFF086;
	s6 =	sadd.s32 @!p0 s3, s7;
	s7 =	simm.s32 @!p0 $0x108  }
0x21: {  	s3 =	sadd.s32 s3, s9;
	s6 =	sadd.s32 @!p0 $0x88, s6;
	s7 =	simm.s32 @p2 $0x1082  }
0x22: {  	[simem:s7], [sflag:s8] =	dma.local @!p0 [hbm:s6], $0xF7A  }
0x23: {  	s9 =	sor.u32 $0xD0000000, s2;
	s6 =	simm.s32 $0x108;
	_ =	swait.ge @!p0 [sflag:s8], $0x0  }
0x24: {  	s3 =	sadd.s32 $0x88, s3;
	s6 =	simm.s32 @!p1 $0x1082;
	[sflag:s4] =	ssyncset.s32 $0xFFFFF086  }
0x25: {  	[simem:s6], [sflag:s4] =	dma.local [hbm:s3], $0xF7A  }
0x26: {  	[smem:$0x3F97] =	sst s1;
	(tag) =	ssettag s2;
	_ =	strace s9  }
0x27: {  	s1 =	sld [smem:$0x3FA7]  }
0x28: {  	s2 =	sld [smem:$0x3FA8]  }
0x29: {  	s4 =	sld [smem:$0x3FAA]  }
0x2a: {  	p0 =	seq.s32 s5, $0x0;
	s5 =	sld [smem:$0x3FAB]  }
0x2b: {  	s6 =	sld [smem:$0x3FAC]  }
0x2c: {  	s7 =	sld [smem:$0x3FAD]  }
0x2d: {  	s3 =	simm.s32 $0x108;
	s8 =	sld [smem:$0x3FAE]  }
0x2e: {  	s3 =	simm.s32 @!p0 $0x1082;
	s9 =	sld [smem:$0x3FAF]  }
0x2f: {  	lr =	sadd.s32 s0, s3;
	s0 =	sld [smem:$0x3FA6]  }
0x30: {  	s3 =	sld [smem:$0x3FA9]  }
0x31: {  	[smem:$0x3FB2] =	sst s10  }
0x32: {  	s10 =	sld [smem:$0x3FB0];
	_ =	sdelay $0x3  }
0x33: {  	p0 =	seq.s32 s10, $0x1;
	s10 =	sld [smem:$0x3FB2];
	_ =	sdelay $0x3  }
0x34: {  	[smem:$0x3FB2] =	sst s10  }
0x35: {  	s10 =	sld [smem:$0x3FB1];
	_ =	sdelay $0x3  }
0x36: {  	p1 =	seq.s32 s10, $0x1;
	s10 =	sld [smem:$0x3FB2];
	_ =	sdelay $0x3  }
0x37: {  	[smem:$0x3FB2] =	sst s10  }
0x38: {  	s10 =	sld [smem:$0x3FB3]  }
0x39: {  	_ = 	snop;
	(pc) =	sbr.ind lr, $3  }
0x3a: {  	_ = 	snop  }
0x3b: {  	_ = 	snop  }
0x3c: {  	p2 =	seq.s32 s10, $0x1;
	s10 =	sld [smem:$0x3FB2]  }
0x3d: {  	_ =	shalt  }
0x3e: {  	_ =	shalt  }
0x3f: {  	_ =	shalt  }
0x40: {  	_ =	shalt  }
0x41: {  	_ =	shalt  }
0x42: {  	_ =	shalt  }
0x43: {  	_ =	shalt  }
0x44: {  	_ =	shalt  }
0x45: {  	_ =	shalt  }
0x46: {  	_ =	shalt  }
0x47: {  	_ =	shalt  }
0x48: {  	_ =	shalt  }
0x49: {  	_ =	shalt  }
0x4a: {  	_ =	shalt  }
0x4b: {  	_ =	shalt  }
0x4c: {  	_ =	shalt  }
0x4d: {  	_ =	shalt  }
0x4e: {  	_ =	shalt  }
0x4f: {  	_ =	shalt  }
0x50: {  	_ =	shalt  }
0x51: {  	_ =	shalt  }
0x52: {  	_ =	shalt  }
0x53: {  	_ =	shalt  }
0x54: {  	_ =	shalt  }
0x55: {  	_ =	shalt  }
0x56: {  	_ =	shalt  }
0x57: {  	_ =	shalt  }
0x58: {  	_ =	shalt  }
0x59: {  	_ =	shalt  }
0x5a: {  	_ =	shalt  }
0x5b: {  	_ =	shalt  }
0x5c: {  	_ =	shalt  }
0x5d: {  	_ =	shalt  }
0x5e: {  	_ =	shalt  }
0x5f: {  	_ =	shalt  }
0x60: {  	_ =	shalt  }
0x61: {  	_ =	shalt  }
0x62: {  	_ =	shalt  }
0x63: {  	_ =	shalt  }
0x64: {  	_ =	shalt  }
0x65: {  	_ =	shalt  }
0x66: {  	_ =	shalt  }
0x67: {  	_ =	shalt  }
0x68: {  	_ =	shalt  }
0x69: {  	_ =	shalt  }
0x6a: {  	_ =	shalt  }
0x6b: {  	_ =	shalt  }
0x6c: {  	_ =	shalt  }
0x6d: {  	_ =	shalt  }
0x6e: {  	_ =	shalt  }
0x6f: {  	_ =	shalt  }
0x70: {  	_ =	shalt  }
0x71: {  	_ =	shalt  }
0x72: {  	_ =	shalt  }
0x73: {  	_ =	shalt  }
0x74: {  	_ =	shalt  }
0x75: {  	_ =	shalt  }
0x76: {  	_ =	shalt  }
0x77: {  	_ =	shalt  }
0x78: {  	_ =	shalt  }
0x79: {  	_ =	shalt  }
0x7a: {  	_ =	shalt  }
0x7b: {  	_ =	shalt  }
0x7c: {  	_ =	shalt  }
0x7d: {  	_ =	shalt  }
0x7e: {  	_ =	shalt  }
0x7f: {  	_ =	shalt  }
0x80: {  	_ =	shalt  }
0x81: {  	_ =	shalt  }
0x82: {  	_ =	shalt  }
0x83: {  	_ =	shalt  }
0x84: {  	_ =	shalt  }
0x85: {  	_ =	shalt  }
0x86: {  	_ =	shalt  }
0x87: {  	_ =	shalt  }
.Lfunc_end0:
.L_simem_size_0:
called_computation.1_lowered:
.L_overlay_start_0:
0x88: {  	s2 =	sld [smem:$0x3FD9]  }
0x89: {  	s3 =	sld [smem:$0x3FFE];
	_ =	sdelay $0x1  }
0x8a: {  	s1 =	srdreg.scid  }
0x8b: {  	s0 =	sand.u32 $0x1, s1  }
0x8c: {  	s17 =	sshll.u32 s0, $0xA;
	s2 =	sadd.s32 s3, s2  }
0x8d: {  	s2 =	sadd.s32 s2, s17  }
0x8e: {  	[smem:$0x3FBE] =	sst s2  }
0x8f: {  	_ = 	snop  }
0x90: {  	s2 =	sld [smem:$0x3FD0];
	(tm) =	ssettm $0x1  }
0x91: {  	s18 =	sld [smem:$0x3FFB];
	_ =	sdelay $0x3  }
0x92: {  	_ =	strace s18  }
0x93: {  	s3 =	sld [smem:$0x3FFC];
	_ =	sdelay $0x3  }
0x94: {  	_ =	strace s3  }
0x95: {  	s3 =	sld [smem:$0x3FFD];
	_ =	sdelay $0x3  }
0x96: {  	_ =	strace s3  }
0x97: {  	_ =	strace $0x8FFFFFFF  }
0x98: {  	s19 =	sld [smem:$0x3FDB];
	_ =	sdelay $0x1  }
0x99: {  	s4 =	simm.s32 $_scs_section_size  }
0x9a: {  	s5 =	simm.s32 $_size__tile_overlayer_lowered;
	s6 =	simm.s32 $_tile_overlayer_lowered  }
0x9b: {  	s22 =	simm.s32 $0x1BFF;
	s21 =	sshll.u32 s6, $0x1;
	s3 =	sadd.s32 s4, s19  }
0x9c: {  	s7 =	simm.s32 $0x0;
	s20 =	sshll.u32 s5, $0x1;
	s5 =	sadd.s32 s21, s3  }
0x9d: {  	[timem:s7], [sflag:s22] =	dma.local [hbm:s5], s20  }
0x9e: {  	_ =	swait.ge [sflag:s22], s20  }
0x9f: {  	s4 =	ssub.s32 $0x0, s20;
	[sflag:s22] =	ssyncset.done $0x0  }
0xa0: {  	[sflag:s22] =	ssyncadd.s32 s4;
	_ =	sdelay $0x1  }
0xa1: {  	s23 =	simm.s32 $0x1B8B  }
0xa2: {  	_ =	swait.ge [sflag:s23], $0x1  }
0xa3: {  	[sflag:s23] =	ssyncset.done $0x0  }
0xa4: {  	s25 =	simm.s32 $0x1B8E;
	s24 =	sld [smem:$0x3FFE];
	[sflag:s23] =	ssyncadd.s32 $0xFFFFFFFF  }
0xa5: {  	s26 =	simm.s32 $execute0_lowered;
	[smem:$0x3FD2] =	sst s25  }
0xa6: {  	s5 =	sshll.u32 s26, $0x1;
	_ =	strace $0x80000049;
	[dreg:$0x1] =	wrdreg $0xFFFFFFFF  }
0xa7: {  	s28 =	simm.s32 $_size_execute0_lowered;
	s3 =	sadd.s32 s3, s5;
	[dreg:$0x0] =	wrdreg $0x0  }
0xa8: {  	s5 =	sshll.u32 s28, $0x1;
	[dreg:$0x2] =	wrdreg s3  }
0xa9: {  	[dreg:$0x3] =	wrdreg s5  }
0xaa: {  	[dreg:$0x4] =	wrdreg $0xC0  }
0xab: {  	_ =	task [dreg:s7], $0x5FFFF  }
0xac: {  	[dreg:$0x1] =	wrdreg $0xFFFFFFFF  }
0xad: {  	[dreg:$0x0] =	wrdreg $0x60  }
0xae: {  	[dreg:$0x2] =	wrdreg s24  }
0xaf: {  	[dreg:$0x3] =	wrdreg s2  }
0xb0: {  	[dreg:$0x4] =	wrdreg $0xBC200  }
0xb1: {  	[dreg:$0x5] =	wrdreg $0x9  }
0xb2: {  	_ =	task.clear_ibuf [dreg:s7], $0x6FFFF;
	_ =	strace $0x90000049  }
0xb3: {  	s29 =	simm.s32 $0x9;
	_ =	strace $0x8000004B  }
0xb4: {  	_ =	swait.ge [sflag:s29], $0x1  }
0xb5: {  	[sflag:s29] =	ssyncadd.s32 $0xFFFFFFFF  }
0xb6: {  	_ =	strace $0x9000004B  }
0xb7: {  	_ =	sfence  }
0xb8: {  	s30 =	sld [smem:$0x0];
	_ =	sdelay $0x2  }
0xb9: {  	s31 =	sshll.u32 s1, $0xD;
	s1 =	sshrl.u32 s1, $0x2  }
0xba: {  	s3 =	sand.u32 $0x4000, s31;
	s1 =	sadd.s32 s1, s30  }
0xbb: {  	s0 =	sor.u32 s3, s0;
	s1 =	sshll.u32 s1, $0x11  }
0xbc: {  	s0 =	sor.u32 s1, s0  }
0xbd: {  	s0 =	sadd.s32 $0x8F2B, s0  }
0xbe: {  	[sflag:s0] =	ssyncadd.remote.s32 $0x1  }
0xbf: {  	_ =	sfence.sel $0xFFFF  }
0xc0: {  	[dreg:$0x0] =	wrdreg $0xFFFFFFFF;
	(pc) =	sbr.abs _section_cstart, $3  }
0xc1: {  	[dreg:$0x1] =	wrdreg $0xFFFFFFFF  }
0xc2: {  	_ =	task.clear_ibuf [dreg:s7], $0x2FFFF;
	_ =	strace $0x9FFFFFFF  }
0xc3: {  	(tm) =	ssettm $0x7FFFFFFF  }
tec
execute0_lowered:
.L_overlay_start_1:
0x0: {  	(tag) =	ssettag $0x1  }
0x1: {  	s0 =	srdreg.scid;
	s6 =	rddreg [dreg:$0x0]  }
0x2: {  	s29 =	stileid.u32;
	s9 =	rddreg [dreg:$0x1]  }
0x3: {  	s15 =	simm.s32 $0x50;
	s16 =	simm.s32 $0x4E20;
	s17 =	simm.s32 $0x8020  }
0x4: {  	s18 =	simm.s32 $0x1;
	s19 =	simm.s32 $0x3;
	s20 =	simm.s32 $0x8A20  }
0x5: {  	s21 =	simm.s32 $0x2;
	s22 =	simm.s32 $0x4;
	s23 =	simm.s32 $0xA320  }
0x6: {  	s24 =	simm.s32 $0x5;
	s25 =	simm.s32 $0x6;
	s26 =	simm.s32 $0x0  }
0x7: {  	s1 =	sand.u32 $0x1, s0;
	s7 =	smul.u32 $0xC800, s29;
	s4 =	sadd.s32 $0xB600, s6  }
0x8: {  	s5 =	sadd.s32 $0x23E00, s6;
	s31 =	sshll.u32 s29, $0x6;
	s2 =	sshll.u32 s1, $0x4  }
0x9: {  	s8 =	smul.u32 $0xC8000, s1;
	s1 =	ssub.s32 $0x2, s1;
	s3 =	sor.u32 s29, s2  }
0xa: {  	s2 =	rddreg [dreg:$0x2];
	s12 =	sshrl.u32 s7, $0x3;
	s30 =	sshrl.u32 s1, $0x1  }
0xb: {  	s10 =	smul.u32 $0x4E2, s3;
	s3 =	simm.s32 $0x0;
	s8 =	sadd.s32 s7, s8  }
0xc: {  	s12 =	sadd.s32 s12, s6;
	s1 =	ssub.s32 s1, s30;
	s14 =	sadd.s32 s7, s2  }
.Ltmp0:
0xd: {  	s7 =	sor.u32 $0x1C07, s31;
	[smem:$0x7FF] =	sst s3;
	(pc) =	sbr.rel .LBB2_1-.Ltmp0, $4  }
0xe: {  	s8 =	sshrl.u32 s8, $0x3;
	_ =	strace $0x8000004A;
	s11 =	sadd.s32 s10, s6  }
0xf: {  	s13 =	sadd.s32 s8, s6;
	s6 =	sadd.s32 $0x28E00, s12;
	s9 =	sadd.s32 s9, s10  }
0x10: {  	s12 =	sshrl.u32 s14, $0x3;
	s14 =	simm.s32 $0x2710;
	s8 =	sadd.s32 $0x1800, s11  }
0x11: {  	v0 =	vimm.s32 $0x0;
	s10 =	sadd.s32 $0x41E00, s13;
	s11 =	smax.u32 s1, $0x1;
	s13 =	simm.s32 $0x7  }
.LBB2_9:
0x12: {  	_ =	swait.ge [sflag:s24], $0x1900  }
0x13: {  	[sflag:s24] =	ssyncset.done $0x0  }
0x14: {  	[sflag:s24] =	ssyncadd.s32 $0xFFFFE700  }
0x15: {  	_ =	swait.ge [sflag:s25], $0x1900  }
0x16: {  	s26 =	sadd.s32 $0x1, s26;
	[sflag:s25] =	ssyncset.done $0x0  }
0x17: {  	p0 =	sne.s32 s26, s11;
	[sflag:s25] =	ssyncadd.s32 $0xFFFFE700  }
.Ltmp1:
0x18: {  	[bflag:$0x0] =	sbarrier.arrive $0xFFFF;
	(pc) =	sbr.rel @!p0 .LBB2_10-.Ltmp1, $4  }
0x19: {  	[hbm:s10], [sflag:s7] =	dma.local [spmem:s12], $0x1900  }
0x1a: {  	_ =	swait.ge [sflag:s13], $0x1900  }
0x1b: {  	[sflag:s13] =	ssyncset.done $0x0  }
0x1c: {  	[sflag:s13] =	ssyncadd.s32 $0xFFFFE700  }
.LBB2_1:
0x1d: {  	[spmem:s12], [sflag:s7] =	dma.local [hbm:s6], $0x1900  }
0x1e: {  	_ =	swait.ge [sflag:s13], $0x1900  }
0x1f: {  	[sflag:s13] =	ssyncset.done $0x0  }
0x20: {  	[sflag:s13] =	ssyncadd.s32 $0xFFFFE700  }
0x21: {  	[tilespmem:s3], [sflag:$0x7] =	stream.linear.gather [hbm4b:s8+s3], $0x2710, $0x38;
	[tilespmem:$0x18420] =	vst v63  }
0x22: {  	_ =	swait.ge [sflag:s13], $0x2710  }
0x23: {  	[sflag:s13] =	ssyncset.done $0x0  }
0x24: {  	[sflag:s13] =	ssyncadd.s32 $0xFFFFD8F0  }
0x25: {  	[tilespmem:s14], [sflag:$0x7] =	stream.linear.gather [hbm4b:s9+s3], $0x2710, $0x38;
	[tilespmem:$0x18420] =	vst v63  }
0x26: {  	_ =	swait.ge [sflag:s13], $0x2710  }
0x27: {  	[sflag:s13] =	ssyncset.done $0x0  }
.Ltmp2:
0x28: {  	[sflag:s13] =	ssyncadd.s32 $0xFFFFD8F0;
	(pc) =	sbr.rel .LBB2_2-.Ltmp2, $4  }
0x29: {  	[bflag:$0x0] =	sbarrier.arrive $0xFFFF  }
0x2a: {  	[tilespmem:s16], [sflag:$0x1] =	stream.indirect.gather [hbm4b:s4+s15], $0x50, s3, s15, $0xb8;
	[tilespmem:$0x18420] =	vst v63  }
0x2b: {  	s28 =	simm.s32 $0x0  }
0x2c: {  	[tilespmem:s17], [sflag:$0x3] =	stream.indirect.gather [hbm4b:s5+s15], $0x10, s14, s15, $0xb8;
	[tilespmem:$0x18420] =	vst v63  }
.LBB2_8:
0x2d: {  	s28 =	sadd.s32 $0x1, s28  }
0x2e: {  	p0 =	sne.s32 s28, $0x3F  }
.Ltmp3:
0x2f: {  	_ = 	snop;
	(pc) =	sbr.rel @!p0 .LBB2_9-.Ltmp3, $1  }
0x30: {  	_ =	sdelay $0x3  }
.LBB2_2:
0x31: {  	s29 =	sshllo.u32 s28, $0x1  }
0x32: {  	p1 =	sgt.u32 s29, $0x7C  }
0x33: {  	s1 =	smul.u32 @!p1 $0x50, s29  }
0x34: {  	s30 =	simm.s32 @!p1 $0x50;
	s31 =	simm.s32 @!p1 $0x6720  }
0x35: {  	[tilespmem:s31], [sflag:$0x2] =	stream.indirect.gather @!p1 [hbm4b:s4+s30], $0x50, s1, s30, $0xb8;
	[tilespmem:$0x18420] =	vst v63  }
0x36: {  	s1 =	sadd.s32 @!p1 $0x2710, s1;
	s31 =	simm.s32 @!p1 $0x8520  }
0x37: {  	[tilespmem:s31], [sflag:$0x4] =	stream.indirect.gather @!p1 [hbm4b:s5+s30], $0x10, s1, s30, $0xb8;
	[tilespmem:$0x18420] =	vst v63  }
0x38: {  	_ =	swait.ge [sflag:s18], $0x1900  }
0x39: {  	[sflag:s18] =	ssyncset.done $0x0  }
0x3a: {  	[sflag:s18] =	ssyncadd.s32 $0xFFFFE700  }
0x3b: {  	_ =	swait.ge [sflag:s19], $0x500  }
0x3c: {  	p0 =	seq.s32 s28, $0x0;
	[sflag:s19] =	ssyncset.done $0x0  }
0x3d: {  	s1 =	simm.s32 @!p0 $0x5;
	[sflag:s19] =	ssyncadd.s32 $0xFFFFFB00  }
0x3e: {  	_ =	swait.ge @!p0 [sflag:s1], $0x1900  }
0x3f: {  	[sflag:s1] =	ssyncset.done @!p0 $0x0  }
0x40: {  	s30 =	simm.s32 $0x0;
	[sflag:s1] =	ssyncadd.s32 @!p0 $0xFFFFE700  }
0x41: {  	s31 =	simm.s32 $0x8020;
	s1 =	simm.s32 $0x140;
	v1 =	vld [tilespmem:s30+$0x4E60]  }
.LBB2_3:
0x42: {  	p2 =	sne.s32 s1, $0x62C0;
	v2 =	vld [tilespmem:s31+$0x0];
	_ =	sdelay $0x4  }
0x43: {  	v1 =	vadd.f32 v2, v1;
	_ =	sdelay $0x1  }
0x44: {  	v2 =	vmul.f32 $2.000000030e-01, v1;
	_ =	sdelay $0x1  }
0x45: {  	v1 =	vmax.f32 v1, v2  }
0x46: {  	v1 =	vmul.f32 $1.442695020e+00, v1;
	_ =	sdelay $0x1  }
0x47: {  	(erf) = vpow2.f32 v1;
	_ =	sdelay $0x4  }
0x48: {  	v1 =	vld [tilespmem:s30+$0x4E20]  }
0x49: {  	v2 =	vld [tilespmem:s30+$0x4E30]  }
0x4a: {  	v3 =	vld [tilespmem:s30+$0x4E40]  }
0x4b: {  	v4 =	vld [tilespmem:s30+$0x4E50]  }
0x4c: {  	v5 =	vpop (erf)  }
0x4d: {  	v6 =	vperm.xlane v5, v0;
	[tilespmem:s30+$0x8A60] =	vst v5;
	_ =	sdelay $0x1  }
0x4e: {  	v1 =	vmul.f32 v1, v6;
	v2 =	vmul.f32 v2, v6  }
.Ltmp4:
0x4f: {  	v3 =	vmul.f32 v3, v6;
	v4 =	vmul.f32 v4, v6;
	(pc) =	sbr.rel @p2 .LBB2_3-.Ltmp4, $4  }
0x50: {  	[tilespmem:s30+$0x8A20] =	vst v1  }
0x51: {  	[tilespmem:s30+$0x8A30] =	vst v2  }
0x52: {  	s0 =	sshra.s32 s1, $0x2;
	[tilespmem:s30+$0x8A40] =	vst v3  }
0x53: {  	s1 =	sadd.s32 $0x140, s1;
	s31 =	sadd.s32 $0x10, s31;
	v1 =	vld [tilespmem:s0+$0x4E60];
	[tilespmem:s30+$0x8A50] =	vst v4;
	s30 =	smov.u32 s0  }
0x54: {  	v2 =	vld [tilespmem:s31+$0x0];
	_ =	sdelay $0x4  }
0x55: {  	v1 =	vadd.f32 v2, v1;
	_ =	sdelay $0x1  }
0x56: {  	v2 =	vmul.f32 $2.000000030e-01, v1;
	_ =	sdelay $0x1  }
0x57: {  	v1 =	vmax.f32 v1, v2  }
0x58: {  	v1 =	vmul.f32 $1.442695020e+00, v1;
	_ =	sdelay $0x1  }
0x59: {  	(erf) = vpow2.f32 v1;
	_ =	sdelay $0x6  }
0x5a: {  	v1 =	vld [tilespmem:s30+$0x4E20]  }
0x5b: {  	v2 =	vld [tilespmem:s30+$0x4E30]  }
0x5c: {  	v3 =	vld [tilespmem:s30+$0x4E40];
	v4 =	vpop (erf)  }
0x5d: {  	v5 =	vld [tilespmem:s30+$0x4E50];
	v6 =	vperm.xlane v4, v0;
	_ =	sdelay $0x1  }
0x5e: {  	v1 =	vmul.f32 v1, v6  }
0x5f: {  	s0 =	smul.u32 $0x280, s28;
	[tilespmem:s30+$0x8A60] =	vst v4;
	v2 =	vmul.f32 v2, v6  }
.Ltmp5:
0x60: {  	v3 =	vmul.f32 v3, v6;
	[tilespmem:s30+$0x8A20] =	vst v1;
	(pc) =	sbr.rel @p1 .LBB2_8-.Ltmp5, $4  }
0x61: {  	v1 =	vmul.f32 v5, v6;
	[tilespmem:s30+$0x8A30] =	vst v2  }
0x62: {  	s0 =	sshra.s32 s0, $0x2;
	[tilespmem:s30+$0x8A40] =	vst v3  }
0x63: {  	s0 =	sadd.s32 $0x2710, s0;
	[tilespmem:s30+$0x8A50] =	vst v1  }
0x64: {  	[spmem:s2] =	stream.indirect.scatter.add.f32 [tilespmem:s20], [sflag:$0x5], $0x50, s0, s15, $0xb8;
	[tilespmem:$0x18420] =	vst v63  }
0x65: {  	s0 =	smul.u32 $0xA0, s28;
	_ =	sdelay $0x1  }
0x66: {  	s1 =	sadd.s32 $0xA0, s0  }
0x67: {  	[tilespmem:s16], [sflag:$0x1] =	stream.indirect.gather [hbm4b:s4+s15], $0x50, s1, s15, $0xb8;
	[tilespmem:$0x18420] =	vst v63  }
0x68: {  	s0 =	sadd.s32 $0x27B0, s0  }
0x69: {  	[tilespmem:s17], [sflag:$0x3] =	stream.indirect.gather [hbm4b:s5+s15], $0x10, s0, s15, $0xb8;
	[tilespmem:$0x18420] =	vst v63  }
0x6a: {  	_ =	swait.ge [sflag:s21], $0x1900  }
0x6b: {  	[sflag:s21] =	ssyncset.done $0x0  }
0x6c: {  	[sflag:s21] =	ssyncadd.s32 $0xFFFFE700  }
0x6d: {  	_ =	swait.ge [sflag:s22], $0x500  }
0x6e: {  	[sflag:s22] =	ssyncset.done $0x0  }
0x6f: {  	s0 =	simm.s32 @!p0 $0x6;
	[sflag:s22] =	ssyncadd.s32 $0xFFFFFB00  }
0x70: {  	_ =	swait.ge @!p0 [sflag:s0], $0x1900  }
0x71: {  	[sflag:s0] =	ssyncset.done @!p0 $0x0  }
0x72: {  	s30 =	simm.s32 $0x0;
	[sflag:s0] =	ssyncadd.s32 @!p0 $0xFFFFE700  }
0x73: {  	s31 =	simm.s32 $0x8520;
	s1 =	simm.s32 $0x140;
	v1 =	vld [tilespmem:s30+$0x6760]  }
.LBB2_6:
0x74: {  	p0 =	sne.s32 s1, $0x62C0;
	v2 =	vld [tilespmem:s31+$0x0];
	_ =	sdelay $0x4  }
0x75: {  	v1 =	vadd.f32 v2, v1;
	_ =	sdelay $0x1  }
0x76: {  	v2 =	vmul.f32 $2.000000030e-01, v1;
	_ =	sdelay $0x1  }
0x77: {  	v1 =	vmax.f32 v1, v2  }
0x78: {  	v1 =	vmul.f32 $1.442695020e+00, v1;
	_ =	sdelay $0x1  }
0x79: {  	(erf) = vpow2.f32 v1;
	_ =	sdelay $0x4  }
0x7a: {  	v1 =	vld [tilespmem:s30+$0x6720]  }
0x7b: {  	v2 =	vld [tilespmem:s30+$0x6730]  }
0x7c: {  	v3 =	vld [tilespmem:s30+$0x6740]  }
0x7d: {  	v4 =	vld [tilespmem:s30+$0x6750]  }
0x7e: {  	v5 =	vpop (erf)  }
0x7f: {  	v6 =	vperm.xlane v5, v0;
	[tilespmem:s30+$0xA360] =	vst v5;
	_ =	sdelay $0x1  }
0x80: {  	v1 =	vmul.f32 v1, v6;
	v2 =	vmul.f32 v2, v6  }
.Ltmp6:
0x81: {  	v3 =	vmul.f32 v3, v6;
	v4 =	vmul.f32 v4, v6;
	(pc) =	sbr.rel @p0 .LBB2_6-.Ltmp6, $4  }
0x82: {  	[tilespmem:s30+$0xA320] =	vst v1  }
0x83: {  	[tilespmem:s30+$0xA330] =	vst v2  }
0x84: {  	s0 =	sshra.s32 s1, $0x2;
	[tilespmem:s30+$0xA340] =	vst v3  }
0x85: {  	s1 =	sadd.s32 $0x140, s1;
	s31 =	sadd.s32 $0x10, s31;
	v1 =	vld [tilespmem:s0+$0x6760];
	[tilespmem:s30+$0xA350] =	vst v4;
	s30 =	smov.u32 s0  }
0x86: {  	v2 =	vld [tilespmem:s31+$0x0];
	_ =	sdelay $0x4  }
0x87: {  	v1 =	vadd.f32 v2, v1;
	_ =	sdelay $0x1  }
0x88: {  	v2 =	vmul.f32 $2.000000030e-01, v1;
	_ =	sdelay $0x1  }
0x89: {  	v1 =	vmax.f32 v1, v2  }
0x8a: {  	v1 =	vmul.f32 $1.442695020e+00, v1;
	_ =	sdelay $0x1  }
0x8b: {  	(erf) = vpow2.f32 v1;
	_ =	sdelay $0x6  }
0x8c: {  	v1 =	vld [tilespmem:s30+$0x6720]  }
0x8d: {  	v2 =	vld [tilespmem:s30+$0x6730]  }
0x8e: {  	v3 =	vld [tilespmem:s30+$0x6740];
	v4 =	vpop (erf)  }
0x8f: {  	v5 =	vld [tilespmem:s30+$0x6750];
	v6 =	vperm.xlane v4, v0;
	_ =	sdelay $0x1  }
0x90: {  	v1 =	vmul.f32 v1, v6  }
0x91: {  	s0 =	smul.u32 $0x140, s29;
	[tilespmem:s30+$0xA360] =	vst v4;
	v2 =	vmul.f32 v2, v6  }
.Ltmp7:
0x92: {  	v3 =	vmul.f32 v3, v6;
	[tilespmem:s30+$0xA320] =	vst v1;
	(pc) =	sbr.rel .LBB2_8-.Ltmp7, $4  }
0x93: {  	v1 =	vmul.f32 v5, v6;
	[tilespmem:s30+$0xA330] =	vst v2  }
0x94: {  	s0 =	sshra.s32 s0, $0x2;
	[tilespmem:s30+$0xA340] =	vst v3  }
0x95: {  	s0 =	sadd.s32 $0x2710, s0;
	[tilespmem:s30+$0xA350] =	vst v1  }
0x96: {  	[spmem:s2] =	stream.indirect.scatter.add.f32 [tilespmem:s23], [sflag:$0x6], $0x50, s0, s15, $0xb8;
	[tilespmem:$0x18420] =	vst v63  }
.LBB2_10:
0x97: {  	_ =	sfence.sel $0x180000  }
0x98: {  	[bflag:$0x0] =	sbarrier.arrive $0xFFFF  }
0x99: {  	_ =	strace $0x9000004A  }
0x9a: {  	s0 =	stileid.u32;
	[bflag:$0x2] =	sbarrier.arrive $0xFFFF  }
0x9b: {  	p0 =	sne.s32 s0, $0x0;
	s0 =	rddreg [dreg:$0x3]  }
0x9c: {  	s0 =	sadd.s32 @!p0 $0x100000, s0  }
0x9d: {  	[sflag:s0] =	ssyncadd.tile.s32 @!p0 $0x1;
	_ =	shalt  }
.Lfunc_end2:
_tile_overlayer_lowered:
.L_overlay_start_2:
0x9e: {  	(tag) =	ssettag $0x2  }
0x9f: {  	s0 =	rddreg [dreg:$0x0];
	s2 =	stileid.u32  }
0xa0: {  	s1 =	rddreg [dreg:$0x1];
	p0 =	sne.s32 s2, $0x0  }
0xa1: {  	s3 =	rddreg [dreg:$0x2];
	[bflag:$0x3] =	sbarrier.arrive $0xFFFF;
	s2 =	simm.s32 @!p0 $0x1C07  }
0xa2: {  	[timem:s3], [sflag:s2] =	dma.local @!p0 [hbm:s0], s1  }
0xa3: {  	s0 =	simm.s32 @!p0 $0x7  }
0xa4: {  	_ =	swait.ge @!p0 [sflag:s0], s1  }
0xa5: {  	s1 =	ssub.s32 @!p0 $0x0, s1;
	[sflag:s0] =	ssyncset.done @!p0 $0x0  }
0xa6: {  	[sflag:s0] =	ssyncadd.s32 @!p0 s1  }
0xa7: {  	[bflag:$0x3] =	sbarrier.arrive $0xFFFF  }
0xa8: {  	_ =	shalt  }

// kernel: kernel.7.cloned.1.call-start
scs
__scs_entry_jumppad:
0x0: {  	(pc) =	sbr.rel $0x88, $3  }
0x1: {  	(tag) =	ssettag $0x0;
	lr =	simm.s32 $0x1  }
0x2: {  	[smem:$0x3F97] =	sst lr;
	_ =	strace $0xD0000000  }
0x3: {  	_ = 	snop  }
0x4: {  	_ = 	snop  }
0x5: {  	_ = 	snop  }
0x6: {  	_ = 	snop  }
0x7: {  	_ = 	snop  }
__scs_overlays_trampoline_lowered:
0x8: {  	[smem:$0x3FA6] =	sst s0  }
0x9: {  	[smem:$0x3FA7] =	sst s1  }
0xa: {  	[smem:$0x3FA8] =	sst s2  }
0xb: {  	[smem:$0x3FA9] =	sst s3  }
0xc: {  	[smem:$0x3FAA] =	sst s4  }
0xd: {  	[smem:$0x3FAB] =	sst s5  }
0xe: {  	[smem:$0x3FAC] =	sst s6  }
0xf: {  	[smem:$0x3FAD] =	sst s7  }
0x10: {  	[smem:$0x3FAE] =	sst s8  }
0x11: {  	[smem:$0x3FAF] =	sst s9;
	s0 =	simm.s32 @!p0 $0x0  }
0x12: {  	s1 =	sld [smem:$0x3F95];
	s0 =	simm.s32 @p0 $0x1  }
0x13: {  	[smem:$0x3FB0] =	sst s0;
	s0 =	simm.s32 @!p1 $0x0  }
0x14: {  	s2 =	sld [smem:$0x3F94];
	s0 =	simm.s32 @p1 $0x1  }
0x15: {  	[smem:$0x3FB1] =	sst s0;
	s0 =	simm.s32 @!p2 $0x0  }
0x16: {  	s3 =	sld [smem:$0x3FDB];
	s0 =	simm.s32 @p2 $0x1  }
0x17: {  	s4 =	simm.s32 $0x1BF5;
	[smem:$0x3FB3] =	sst s0  }
0x18: {  	s0 =	sld [smem:$0x3F96];
	_ =	swait.ge [sflag:s4], $0x0  }
0x19: {  	s7 =	sld [smem:$0x3F97]  }
0x1a: {  	s8 =	sadd.s32 $0xFFFFE003, lr  }
0x1b: {  	s9 =	sadd.s32 $0xFFFFFEF7, lr;
	s5 =	simm.s32 $0xFFFFFFFF;
	p2 =	slt.u32 s8, $0xFFFFF086  }
0x1c: {  	p1 =	slt.u32 s9, $0xF7A;
	s5 =	simm.s32 @!p2 $0x0  }
0x1d: {  	s5 =	simm.s32 @p1 $0x1;
	p0 =	seq.s32 s7, s2  }
0x1e: {  	s7 =	smul.u32 @!p0 $0xF7A, s2;
	p2 =	seq.s32 @!p0 s5, $0x0  }
0x1f: {  	s9 =	smul.u32 $0xF7A, s1;
	s8 =	simm.s32 @!p0 $0x1BF5;
	p2 =	por !p2, p0  }
0x20: {  	[sflag:s8] =	ssyncset.s32 @!p0 $0xFFFFF086;
	s6 =	sadd.s32 @!p0 s3, s7;
	s7 =	simm.s32 @!p0 $0x108  }
0x21: {  	s3 =	sadd.s32 s3, s9;
	s6 =	sadd.s32 @!p0 $0x88, s6;
	s7 =	simm.s32 @p2 $0x1082  }
0x22: {  	[simem:s7], [sflag:s8] =	dma.local @!p0 [hbm:s6], $0xF7A  }
0x23: {  	s9 =	sor.u32 $0xD0000000, s2;
	s6 =	simm.s32 $0x108;
	_ =	swait.ge @!p0 [sflag:s8], $0x0  }
0x24: {  	s3 =	sadd.s32 $0x88, s3;
	s6 =	simm.s32 @!p1 $0x1082;
	[sflag:s4] =	ssyncset.s32 $0xFFFFF086  }
0x25: {  	[simem:s6], [sflag:s4] =	dma.local [hbm:s3], $0xF7A  }
0x26: {  	[smem:$0x3F97] =	sst s1;
	(tag) =	ssettag s2;
	_ =	strace s9  }
0x27: {  	s1 =	sld [smem:$0x3FA7]  }
0x28: {  	s2 =	sld [smem:$0x3FA8]  }
0x29: {  	s4 =	sld [smem:$0x3FAA]  }
0x2a: {  	p0 =	seq.s32 s5, $0x0;
	s5 =	sld [smem:$0x3FAB]  }
0x2b: {  	s6 =	sld [smem:$0x3FAC]  }
0x2c: {  	s7 =	sld [smem:$0x3FAD]  }
0x2d: {  	s3 =	simm.s32 $0x108;
	s8 =	sld [smem:$0x3FAE]  }
0x2e: {  	s3 =	simm.s32 @!p0 $0x1082;
	s9 =	sld [smem:$0x3FAF]  }
0x2f: {  	lr =	sadd.s32 s0, s3;
	s0 =	sld [smem:$0x3FA6]  }
0x30: {  	s3 =	sld [smem:$0x3FA9]  }
0x31: {  	[smem:$0x3FB2] =	sst s10  }
0x32: {  	s10 =	sld [smem:$0x3FB0];
	_ =	sdelay $0x3  }
0x33: {  	p0 =	seq.s32 s10, $0x1;
	s10 =	sld [smem:$0x3FB2];
	_ =	sdelay $0x3  }
0x34: {  	[smem:$0x3FB2] =	sst s10  }
0x35: {  	s10 =	sld [smem:$0x3FB1];
	_ =	sdelay $0x3  }
0x36: {  	p1 =	seq.s32 s10, $0x1;
	s10 =	sld [smem:$0x3FB2];
	_ =	sdelay $0x3  }
0x37: {  	[smem:$0x3FB2] =	sst s10  }
0x38: {  	s10 =	sld [smem:$0x3FB3]  }
0x39: {  	_ = 	snop;
	(pc) =	sbr.ind lr, $3  }
0x3a: {  	_ = 	snop  }
0x3b: {  	_ = 	snop  }
0x3c: {  	p2 =	seq.s32 s10, $0x1;
	s10 =	sld [smem:$0x3FB2]  }
0x3d: {  	_ =	shalt  }
0x3e: {  	_ =	shalt  }
0x3f: {  	_ =	shalt  }
0x40: {  	_ =	shalt  }
0x41: {  	_ =	shalt  }
0x42: {  	_ =	shalt  }
0x43: {  	_ =	shalt  }
0x44: {  	_ =	shalt  }
0x45: {  	_ =	shalt  }
0x46: {  	_ =	shalt  }
0x47: {  	_ =	shalt  }
0x48: {  	_ =	shalt  }
0x49: {  	_ =	shalt  }
0x4a: {  	_ =	shalt  }
0x4b: {  	_ =	shalt  }
0x4c: {  	_ =	shalt  }
0x4d: {  	_ =	shalt  }
0x4e: {  	_ =	shalt  }
0x4f: {  	_ =	shalt  }
0x50: {  	_ =	shalt  }
0x51: {  	_ =	shalt  }
0x52: {  	_ =	shalt  }
0x53: {  	_ =	shalt  }
0x54: {  	_ =	shalt  }
0x55: {  	_ =	shalt  }
0x56: {  	_ =	shalt  }
0x57: {  	_ =	shalt  }
0x58: {  	_ =	shalt  }
0x59: {  	_ =	shalt  }
0x5a: {  	_ =	shalt  }
0x5b: {  	_ =	shalt  }
0x5c: {  	_ =	shalt  }
0x5d: {  	_ =	shalt  }
0x5e: {  	_ =	shalt  }
0x5f: {  	_ =	shalt  }
0x60: {  	_ =	shalt  }
0x61: {  	_ =	shalt  }
0x62: {  	_ =	shalt  }
0x63: {  	_ =	shalt  }
0x64: {  	_ =	shalt  }
0x65: {  	_ =	shalt  }
0x66: {  	_ =	shalt  }
0x67: {  	_ =	shalt  }
0x68: {  	_ =	shalt  }
0x69: {  	_ =	shalt  }
0x6a: {  	_ =	shalt  }
0x6b: {  	_ =	shalt  }
0x6c: {  	_ =	shalt  }
0x6d: {  	_ =	shalt  }
0x6e: {  	_ =	shalt  }
0x6f: {  	_ =	shalt  }
0x70: {  	_ =	shalt  }
0x71: {  	_ =	shalt  }
0x72: {  	_ =	shalt  }
0x73: {  	_ =	shalt  }
0x74: {  	_ =	shalt  }
0x75: {  	_ =	shalt  }
0x76: {  	_ =	shalt  }
0x77: {  	_ =	shalt  }
0x78: {  	_ =	shalt  }
0x79: {  	_ =	shalt  }
0x7a: {  	_ =	shalt  }
0x7b: {  	_ =	shalt  }
0x7c: {  	_ =	shalt  }
0x7d: {  	_ =	shalt  }
0x7e: {  	_ =	shalt  }
0x7f: {  	_ =	shalt  }
0x80: {  	_ =	shalt  }
0x81: {  	_ =	shalt  }
0x82: {  	_ =	shalt  }
0x83: {  	_ =	shalt  }
0x84: {  	_ =	shalt  }
0x85: {  	_ =	shalt  }
0x86: {  	_ =	shalt  }
0x87: {  	_ =	shalt  }
.Lfunc_end0:
.L_simem_size_0:
called_computation_lowered:
.L_overlay_start_0:
0x88: {  	s2 =	sld [smem:$0x3FD9]  }
0x89: {  	s3 =	sld [smem:$0x3FFE];
	_ =	sdelay $0x1  }
0x8a: {  	s1 =	srdreg.scid  }
0x8b: {  	s0 =	sand.u32 $0x1, s1  }
0x8c: {  	s17 =	sshll.u32 s0, $0xA;
	s2 =	sadd.s32 s3, s2  }
0x8d: {  	s2 =	sadd.s32 s2, s17  }
0x8e: {  	[smem:$0x3FBE] =	sst s2  }
0x8f: {  	_ = 	snop  }
0x90: {  	s2 =	sld [smem:$0x3FD0];
	(tm) =	ssettm $0x1  }
0x91: {  	s18 =	sld [smem:$0x3FFB];
	_ =	sdelay $0x3  }
0x92: {  	_ =	strace s18  }
0x93: {  	s3 =	sld [smem:$0x3FFC];
	_ =	sdelay $0x3  }
0x94: {  	_ =	strace s3  }
0x95: {  	s3 =	sld [smem:$0x3FFD];
	_ =	sdelay $0x3  }
0x96: {  	_ =	strace s3  }
0x97: {  	_ =	strace $0x8FFFFFFF  }
0x98: {  	s19 =	sld [smem:$0x3FDB];
	_ =	sdelay $0x1  }
0x99: {  	s4 =	simm.s32 $_scs_section_size  }
0x9a: {  	s5 =	simm.s32 $_size__tile_overlayer_lowered;
	s6 =	simm.s32 $_tile_overlayer_lowered  }
0x9b: {  	s22 =	simm.s32 $0x1BFF;
	s21 =	sshll.u32 s6, $0x1;
	s3 =	sadd.s32 s4, s19  }
0x9c: {  	s7 =	simm.s32 $0x0;
	s20 =	sshll.u32 s5, $0x1;
	s5 =	sadd.s32 s21, s3  }
0x9d: {  	[timem:s7], [sflag:s22] =	dma.local [hbm:s5], s20  }
0x9e: {  	_ =	swait.ge [sflag:s22], s20  }
0x9f: {  	s4 =	ssub.s32 $0x0, s20;
	[sflag:s22] =	ssyncset.done $0x0  }
0xa0: {  	[sflag:s22] =	ssyncadd.s32 s4;
	_ =	sdelay $0x1  }
0xa1: {  	s23 =	simm.s32 $0x1B8B  }
0xa2: {  	_ =	swait.ge [sflag:s23], $0x1  }
0xa3: {  	[sflag:s23] =	ssyncset.done $0x0  }
0xa4: {  	s25 =	simm.s32 $0x1B8E;
	s24 =	sld [smem:$0x3FFE];
	[sflag:s23] =	ssyncadd.s32 $0xFFFFFFFF  }
0xa5: {  	s26 =	simm.s32 $execute0_lowered;
	[smem:$0x3FD2] =	sst s25  }
0xa6: {  	s5 =	sshll.u32 s26, $0x1;
	_ =	strace $0x80000046;
	[dreg:$0x1] =	wrdreg $0xFFFFFFFF  }
0xa7: {  	s28 =	simm.s32 $_size_execute0_lowered;
	s3 =	sadd.s32 s3, s5;
	[dreg:$0x0] =	wrdreg $0x0  }
0xa8: {  	s5 =	sshll.u32 s28, $0x1;
	[dreg:$0x2] =	wrdreg s3  }
0xa9: {  	[dreg:$0x3] =	wrdreg s5  }
0xaa: {  	[dreg:$0x4] =	wrdreg $0xC0  }
0xab: {  	_ =	task [dreg:s7], $0x5FFFF  }
0xac: {  	[dreg:$0x1] =	wrdreg $0xFFFFFFFF  }
0xad: {  	[dreg:$0x0] =	wrdreg $0x60  }
0xae: {  	[dreg:$0x2] =	wrdreg s24  }
0xaf: {  	[dreg:$0x3] =	wrdreg s2  }
0xb0: {  	[dreg:$0x4] =	wrdreg $0xBC200  }
0xb1: {  	[dreg:$0x5] =	wrdreg $0x9  }
0xb2: {  	_ =	task.clear_ibuf [dreg:s7], $0x6FFFF;
	_ =	strace $0x90000046  }
0xb3: {  	s29 =	simm.s32 $0x9;
	_ =	strace $0x80000048  }
0xb4: {  	_ =	swait.ge [sflag:s29], $0x1  }
0xb5: {  	[sflag:s29] =	ssyncadd.s32 $0xFFFFFFFF  }
0xb6: {  	_ =	strace $0x90000048  }
0xb7: {  	_ =	sfence  }
0xb8: {  	s30 =	sld [smem:$0x0];
	_ =	sdelay $0x2  }
0xb9: {  	s31 =	sshll.u32 s1, $0xD;
	s1 =	sshrl.u32 s1, $0x2  }
0xba: {  	s3 =	sand.u32 $0x4000, s31;
	s1 =	sadd.s32 s1, s30  }
0xbb: {  	s0 =	sor.u32 s3, s0;
	s1 =	sshll.u32 s1, $0x11  }
0xbc: {  	s0 =	sor.u32 s1, s0  }
0xbd: {  	s0 =	sadd.s32 $0x8F2B, s0  }
0xbe: {  	[sflag:s0] =	ssyncadd.remote.s32 $0x1  }
0xbf: {  	_ =	sfence.sel $0xFFFF  }
0xc0: {  	[dreg:$0x0] =	wrdreg $0xFFFFFFFF;
	(pc) =	sbr.abs _section_cstart, $3  }
0xc1: {  	[dreg:$0x1] =	wrdreg $0xFFFFFFFF  }
0xc2: {  	_ =	task.clear_ibuf [dreg:s7], $0x2FFFF;
	_ =	strace $0x9FFFFFFF  }
0xc3: {  	(tm) =	ssettm $0x7FFFFFFF  }
tec
execute0_lowered:
.L_overlay_start_1:
0x0: {  	(tag) =	ssettag $0x1  }
0x1: {  	s0 =	srdreg.scid;
	s6 =	rddreg [dreg:$0x0]  }
0x2: {  	s29 =	stileid.u32;
	s9 =	rddreg [dreg:$0x1]  }
0x3: {  	s15 =	simm.s32 $0x50;
	s16 =	simm.s32 $0x4E20;
	s17 =	simm.s32 $0x8020  }
0x4: {  	s18 =	simm.s32 $0x1;
	s19 =	simm.s32 $0x3;
	s20 =	simm.s32 $0x8A20  }
0x5: {  	s21 =	simm.s32 $0x2;
	s22 =	simm.s32 $0x4;
	s23 =	simm.s32 $0xA320  }
0x6: {  	s24 =	simm.s32 $0x5;
	s25 =	simm.s32 $0x6;
	s26 =	simm.s32 $0x0  }
0x7: {  	s1 =	sand.u32 $0x1, s0;
	s7 =	smul.u32 $0xC800, s29;
	s4 =	sadd.s32 $0xB600, s6  }
0x8: {  	s5 =	sadd.s32 $0x23E00, s6;
	s31 =	sshll.u32 s29, $0x6;
	s2 =	sshll.u32 s1, $0x4  }
0x9: {  	s8 =	smul.u32 $0xC8000, s1;
	s1 =	ssub.s32 $0x2, s1;
	s3 =	sor.u32 s29, s2  }
0xa: {  	s2 =	rddreg [dreg:$0x2];
	s12 =	sshrl.u32 s7, $0x3;
	s30 =	sshrl.u32 s1, $0x1  }
0xb: {  	s10 =	smul.u32 $0x4E2, s3;
	s3 =	simm.s32 $0x0;
	s8 =	sadd.s32 s7, s8  }
0xc: {  	s12 =	sadd.s32 s12, s6;
	s1 =	ssub.s32 s1, s30;
	s14 =	sadd.s32 s7, s2  }
.Ltmp0:
0xd: {  	s7 =	sor.u32 $0x1C07, s31;
	[smem:$0x7FF] =	sst s3;
	(pc) =	sbr.rel .LBB2_1-.Ltmp0, $4  }
0xe: {  	s8 =	sshrl.u32 s8, $0x3;
	_ =	strace $0x80000047;
	s11 =	sadd.s32 s10, s6  }
0xf: {  	v0 =	vlaneseq.u32;
	s13 =	sadd.s32 s8, s6;
	s6 =	sadd.s32 $0x28E00, s12;
	s9 =	sadd.s32 s9, s10  }
0x10: {  	v0 =	vshrl.u32 v0, $0x3;
	s12 =	sshrl.u32 s14, $0x3;
	s14 =	simm.s32 $0x2710;
	s8 =	sadd.s32 $0x1800, s11  }
0x11: {  	v1 =	vor.u32 $0x2, v0;
	v2 =	vor.u32 $0x4, v0;
	v3 =	vor.u32 $0x6, v0;
	s10 =	sadd.s32 $0x41E00, s13;
	s11 =	smax.u32 s1, $0x1;
	s13 =	simm.s32 $0x7  }
.LBB2_9:
0x12: {  	_ =	swait.ge [sflag:s24], $0x1900  }
0x13: {  	[sflag:s24] =	ssyncset.done $0x0  }
0x14: {  	[sflag:s24] =	ssyncadd.s32 $0xFFFFE700  }
0x15: {  	_ =	swait.ge [sflag:s25], $0x1900  }
0x16: {  	s26 =	sadd.s32 $0x1, s26;
	[sflag:s25] =	ssyncset.done $0x0  }
0x17: {  	p0 =	sne.s32 s26, s11;
	[sflag:s25] =	ssyncadd.s32 $0xFFFFE700  }
.Ltmp1:
0x18: {  	[bflag:$0x0] =	sbarrier.arrive $0xFFFF;
	(pc) =	sbr.rel @!p0 .LBB2_10-.Ltmp1, $4  }
0x19: {  	[hbm:s10], [sflag:s7] =	dma.local [spmem:s12], $0x1900  }
0x1a: {  	_ =	swait.ge [sflag:s13], $0x1900  }
0x1b: {  	[sflag:s13] =	ssyncset.done $0x0  }
0x1c: {  	[sflag:s13] =	ssyncadd.s32 $0xFFFFE700  }
.LBB2_1:
0x1d: {  	[spmem:s12], [sflag:s7] =	dma.local [hbm:s6], $0x1900  }
0x1e: {  	_ =	swait.ge [sflag:s13], $0x1900  }
0x1f: {  	[sflag:s13] =	ssyncset.done $0x0  }
0x20: {  	[sflag:s13] =	ssyncadd.s32 $0xFFFFE700  }
0x21: {  	[tilespmem:s3], [sflag:$0x7] =	stream.linear.gather [hbm4b:s8+s3], $0x2710, $0x38;
	[tilespmem:$0x18420] =	vst v63  }
0x22: {  	_ =	swait.ge [sflag:s13], $0x2710  }
0x23: {  	[sflag:s13] =	ssyncset.done $0x0  }
0x24: {  	[sflag:s13] =	ssyncadd.s32 $0xFFFFD8F0  }
0x25: {  	[tilespmem:s14], [sflag:$0x7] =	stream.linear.gather [hbm4b:s9+s3], $0x2710, $0x38;
	[tilespmem:$0x18420] =	vst v63  }
0x26: {  	_ =	swait.ge [sflag:s13], $0x2710  }
0x27: {  	[sflag:s13] =	ssyncset.done $0x0  }
.Ltmp2:
0x28: {  	[sflag:s13] =	ssyncadd.s32 $0xFFFFD8F0;
	(pc) =	sbr.rel .LBB2_2-.Ltmp2, $4  }
0x29: {  	[bflag:$0x0] =	sbarrier.arrive $0xFFFF  }
0x2a: {  	[tilespmem:s16], [sflag:$0x1] =	stream.indirect.gather [hbm4b:s4+s15], $0x50, s3, s15, $0xb8;
	[tilespmem:$0x18420] =	vst v63  }
0x2b: {  	s28 =	simm.s32 $0x0  }
0x2c: {  	[tilespmem:s17], [sflag:$0x3] =	stream.indirect.gather [hbm4b:s5+s15], $0x10, s14, s15, $0xb8;
	[tilespmem:$0x18420] =	vst v63  }
.LBB2_8:
0x2d: {  	s28 =	sadd.s32 $0x1, s28  }
0x2e: {  	p0 =	sne.s32 s28, $0x3F  }
.Ltmp3:
0x2f: {  	_ = 	snop;
	(pc) =	sbr.rel @!p0 .LBB2_9-.Ltmp3, $1  }
0x30: {  	_ =	sdelay $0x3  }
.LBB2_2:
0x31: {  	s29 =	sshllo.u32 s28, $0x1  }
0x32: {  	p1 =	sgt.u32 s29, $0x7C  }
0x33: {  	s1 =	smul.u32 @!p1 $0x50, s29  }
0x34: {  	s30 =	simm.s32 @!p1 $0x50;
	s31 =	simm.s32 @!p1 $0x6720  }
0x35: {  	[tilespmem:s31], [sflag:$0x2] =	stream.indirect.gather @!p1 [hbm4b:s4+s30], $0x50, s1, s30, $0xb8;
	[tilespmem:$0x18420] =	vst v63  }
0x36: {  	s1 =	sadd.s32 @!p1 $0x2710, s1;
	s31 =	simm.s32 @!p1 $0x8520  }
0x37: {  	[tilespmem:s31], [sflag:$0x4] =	stream.indirect.gather @!p1 [hbm4b:s5+s30], $0x10, s1, s30, $0xb8;
	[tilespmem:$0x18420] =	vst v63  }
0x38: {  	_ =	swait.ge [sflag:s18], $0x1900  }
0x39: {  	[sflag:s18] =	ssyncset.done $0x0  }
0x3a: {  	[sflag:s18] =	ssyncadd.s32 $0xFFFFE700  }
0x3b: {  	_ =	swait.ge [sflag:s19], $0x500  }
0x3c: {  	p0 =	seq.s32 s28, $0x0;
	[sflag:s19] =	ssyncset.done $0x0  }
0x3d: {  	s1 =	simm.s32 @!p0 $0x5;
	[sflag:s19] =	ssyncadd.s32 $0xFFFFFB00  }
0x3e: {  	_ =	swait.ge @!p0 [sflag:s1], $0x1900  }
0x3f: {  	[sflag:s1] =	ssyncset.done @!p0 $0x0  }
0x40: {  	s30 =	simm.s32 $0x0;
	[sflag:s1] =	ssyncadd.s32 @!p0 $0xFFFFE700  }
0x41: {  	s31 =	simm.s32 $0x8020;
	s1 =	simm.s32 $0x140;
	v4 =	vld [tilespmem:s30+$0x4E60]  }
.LBB2_3:
0x42: {  	p2 =	sne.s32 s1, $0x62C0;
	v5 =	vld [tilespmem:s31+$0x0];
	_ =	sdelay $0x4  }
0x43: {  	v4 =	vadd.f32 v5, v4;
	_ =	sdelay $0x1  }
0x44: {  	v5 =	vmul.f32 $2.000000030e-01, v4;
	_ =	sdelay $0x1  }
0x45: {  	v4 =	vmax.f32 v4, v5  }
0x46: {  	v4 =	vmul.f32 $1.442695020e+00, v4;
	_ =	sdelay $0x1  }
0x47: {  	(erf) = vpow2.f32 v4;
	_ =	sdelay $0x4  }
0x48: {  	v4 =	vld [tilespmem:s30+$0x4E20]  }
0x49: {  	v5 =	vld [tilespmem:s30+$0x4E30]  }
0x4a: {  	v6 =	vld [tilespmem:s30+$0x4E40]  }
0x4b: {  	v7 =	vld [tilespmem:s30+$0x4E50]  }
0x4c: {  	v8 =	vpop (erf)  }
0x4d: {  	v9 =	vperm.xlane v8, v0;
	v10 =	vperm.xlane v8, v1;
	[tilespmem:s30+$0x8A60] =	vst v8  }
0x4e: {  	v11 =	vperm.xlane v8, v2;
	v8 =	vperm.xlane v8, v3  }
0x4f: {  	v4 =	vmul.f32 v4, v9;
	v5 =	vmul.f32 v5, v10  }
.Ltmp4:
0x50: {  	v6 =	vmul.f32 v6, v11;
	v7 =	vmul.f32 v7, v8;
	(pc) =	sbr.rel @p2 .LBB2_3-.Ltmp4, $4  }
0x51: {  	[tilespmem:s30+$0x8A20] =	vst v4  }
0x52: {  	[tilespmem:s30+$0x8A30] =	vst v5  }
0x53: {  	s0 =	sshra.s32 s1, $0x2;
	[tilespmem:s30+$0x8A40] =	vst v6  }
0x54: {  	s1 =	sadd.s32 $0x140, s1;
	s31 =	sadd.s32 $0x10, s31;
	v4 =	vld [tilespmem:s0+$0x4E60];
	[tilespmem:s30+$0x8A50] =	vst v7;
	s30 =	smov.u32 s0  }
0x55: {  	v5 =	vld [tilespmem:s31+$0x0];
	_ =	sdelay $0x4  }
0x56: {  	v4 =	vadd.f32 v5, v4;
	_ =	sdelay $0x1  }
0x57: {  	v5 =	vmul.f32 $2.000000030e-01, v4;
	_ =	sdelay $0x1  }
0x58: {  	v4 =	vmax.f32 v4, v5  }
0x59: {  	v4 =	vmul.f32 $1.442695020e+00, v4;
	_ =	sdelay $0x1  }
0x5a: {  	(erf) = vpow2.f32 v4;
	_ =	sdelay $0x6  }
0x5b: {  	v4 =	vld [tilespmem:s30+$0x4E20]  }
0x5c: {  	v5 =	vld [tilespmem:s30+$0x4E30]  }
0x5d: {  	v6 =	vld [tilespmem:s30+$0x4E40];
	v7 =	vpop (erf)  }
0x5e: {  	v8 =	vld [tilespmem:s30+$0x4E50];
	v9 =	vperm.xlane v7, v0  }
0x5f: {  	v10 =	vperm.xlane v7, v1  }
0x60: {  	v11 =	vperm.xlane v7, v2;
	v4 =	vmul.f32 v4, v9  }
0x61: {  	s0 =	smul.u32 $0x280, s28;
	[tilespmem:s30+$0x8A60] =	vst v7;
	v7 =	vperm.xlane v7, v3;
	v5 =	vmul.f32 v5, v10  }
.Ltmp5:
0x62: {  	v6 =	vmul.f32 v6, v11;
	[tilespmem:s30+$0x8A20] =	vst v4;
	(pc) =	sbr.rel @p1 .LBB2_8-.Ltmp5, $4  }
0x63: {  	v4 =	vmul.f32 v8, v7;
	[tilespmem:s30+$0x8A30] =	vst v5  }
0x64: {  	s0 =	sshra.s32 s0, $0x2;
	[tilespmem:s30+$0x8A40] =	vst v6  }
0x65: {  	s0 =	sadd.s32 $0x2710, s0;
	[tilespmem:s30+$0x8A50] =	vst v4  }
0x66: {  	[spmem:s2] =	stream.indirect.scatter.add.f32 [tilespmem:s20], [sflag:$0x5], $0x50, s0, s15, $0xb8;
	[tilespmem:$0x18420] =	vst v63  }
0x67: {  	s0 =	smul.u32 $0xA0, s28;
	_ =	sdelay $0x1  }
0x68: {  	s1 =	sadd.s32 $0xA0, s0  }
0x69: {  	[tilespmem:s16], [sflag:$0x1] =	stream.indirect.gather [hbm4b:s4+s15], $0x50, s1, s15, $0xb8;
	[tilespmem:$0x18420] =	vst v63  }
0x6a: {  	s0 =	sadd.s32 $0x27B0, s0  }
0x6b: {  	[tilespmem:s17], [sflag:$0x3] =	stream.indirect.gather [hbm4b:s5+s15], $0x10, s0, s15, $0xb8;
	[tilespmem:$0x18420] =	vst v63  }
0x6c: {  	_ =	swait.ge [sflag:s21], $0x1900  }
0x6d: {  	[sflag:s21] =	ssyncset.done $0x0  }
0x6e: {  	[sflag:s21] =	ssyncadd.s32 $0xFFFFE700  }
0x6f: {  	_ =	swait.ge [sflag:s22], $0x500  }
0x70: {  	[sflag:s22] =	ssyncset.done $0x0  }
0x71: {  	s0 =	simm.s32 @!p0 $0x6;
	[sflag:s22] =	ssyncadd.s32 $0xFFFFFB00  }
0x72: {  	_ =	swait.ge @!p0 [sflag:s0], $0x1900  }
0x73: {  	[sflag:s0] =	ssyncset.done @!p0 $0x0  }
0x74: {  	s30 =	simm.s32 $0x0;
	[sflag:s0] =	ssyncadd.s32 @!p0 $0xFFFFE700  }
0x75: {  	s31 =	simm.s32 $0x8520;
	s1 =	simm.s32 $0x140;
	v4 =	vld [tilespmem:s30+$0x6760]  }
.LBB2_6:
0x76: {  	p0 =	sne.s32 s1, $0x62C0;
	v5 =	vld [tilespmem:s31+$0x0];
	_ =	sdelay $0x4  }
0x77: {  	v4 =	vadd.f32 v5, v4;
	_ =	sdelay $0x1  }
0x78: {  	v5 =	vmul.f32 $2.000000030e-01, v4;
	_ =	sdelay $0x1  }
0x79: {  	v4 =	vmax.f32 v4, v5  }
0x7a: {  	v4 =	vmul.f32 $1.442695020e+00, v4;
	_ =	sdelay $0x1  }
0x7b: {  	(erf) = vpow2.f32 v4;
	_ =	sdelay $0x4  }
0x7c: {  	v4 =	vld [tilespmem:s30+$0x6720]  }
0x7d: {  	v5 =	vld [tilespmem:s30+$0x6730]  }
0x7e: {  	v6 =	vld [tilespmem:s30+$0x6740]  }
0x7f: {  	v7 =	vld [tilespmem:s30+$0x6750]  }
0x80: {  	v8 =	vpop (erf)  }
0x81: {  	v9 =	vperm.xlane v8, v0;
	v10 =	vperm.xlane v8, v1;
	[tilespmem:s30+$0xA360] =	vst v8  }
0x82: {  	v11 =	vperm.xlane v8, v2;
	v8 =	vperm.xlane v8, v3  }
0x83: {  	v4 =	vmul.f32 v4, v9;
	v5 =	vmul.f32 v5, v10  }
.Ltmp6:
0x84: {  	v6 =	vmul.f32 v6, v11;
	v7 =	vmul.f32 v7, v8;
	(pc) =	sbr.rel @p0 .LBB2_6-.Ltmp6, $4  }
0x85: {  	[tilespmem:s30+$0xA320] =	vst v4  }
0x86: {  	[tilespmem:s30+$0xA330] =	vst v5  }
0x87: {  	s0 =	sshra.s32 s1, $0x2;
	[tilespmem:s30+$0xA340] =	vst v6  }
0x88: {  	s1 =	sadd.s32 $0x140, s1;
	s31 =	sadd.s32 $0x10, s31;
	v4 =	vld [tilespmem:s0+$0x6760];
	[tilespmem:s30+$0xA350] =	vst v7;
	s30 =	smov.u32 s0  }
0x89: {  	v5 =	vld [tilespmem:s31+$0x0];
	_ =	sdelay $0x4  }
0x8a: {  	v4 =	vadd.f32 v5, v4;
	_ =	sdelay $0x1  }
0x8b: {  	v5 =	vmul.f32 $2.000000030e-01, v4;
	_ =	sdelay $0x1  }
0x8c: {  	v4 =	vmax.f32 v4, v5  }
0x8d: {  	v4 =	vmul.f32 $1.442695020e+00, v4;
	_ =	sdelay $0x1  }
0x8e: {  	(erf) = vpow2.f32 v4;
	_ =	sdelay $0x6  }
0x8f: {  	v4 =	vld [tilespmem:s30+$0x6720]  }
0x90: {  	v5 =	vld [tilespmem:s30+$0x6730]  }
0x91: {  	v6 =	vld [tilespmem:s30+$0x6740];
	v7 =	vpop (erf)  }
0x92: {  	v8 =	vld [tilespmem:s30+$0x6750];
	v9 =	vperm.xlane v7, v0  }
0x93: {  	v10 =	vperm.xlane v7, v1  }
0x94: {  	v11 =	vperm.xlane v7, v2;
	v4 =	vmul.f32 v4, v9  }
0x95: {  	s0 =	smul.u32 $0x140, s29;
	[tilespmem:s30+$0xA360] =	vst v7;
	v7 =	vperm.xlane v7, v3;
	v5 =	vmul.f32 v5, v10  }
.Ltmp7:
0x96: {  	v6 =	vmul.f32 v6, v11;
	[tilespmem:s30+$0xA320] =	vst v4;
	(pc) =	sbr.rel .LBB2_8-.Ltmp7, $4  }
0x97: {  	v4 =	vmul.f32 v8, v7;
	[tilespmem:s30+$0xA330] =	vst v5  }
0x98: {  	s0 =	sshra.s32 s0, $0x2;
	[tilespmem:s30+$0xA340] =	vst v6  }
0x99: {  	s0 =	sadd.s32 $0x2710, s0;
	[tilespmem:s30+$0xA350] =	vst v4  }
0x9a: {  	[spmem:s2] =	stream.indirect.scatter.add.f32 [tilespmem:s23], [sflag:$0x6], $0x50, s0, s15, $0xb8;
	[tilespmem:$0x18420] =	vst v63  }
.LBB2_10:
0x9b: {  	_ =	sfence.sel $0x180000  }
0x9c: {  	[bflag:$0x0] =	sbarrier.arrive $0xFFFF  }
0x9d: {  	_ =	strace $0x90000047  }
0x9e: {  	s0 =	stileid.u32;
	[bflag:$0x2] =	sbarrier.arrive $0xFFFF  }
0x9f: {  	p0 =	sne.s32 s0, $0x0;
	s0 =	rddreg [dreg:$0x3]  }
0xa0: {  	s0 =	sadd.s32 @!p0 $0x100000, s0  }
0xa1: {  	[sflag:s0] =	ssyncadd.tile.s32 @!p0 $0x1;
	_ =	shalt  }
.Lfunc_end2:
_tile_overlayer_lowered:
.L_overlay_start_2:
0xa2: {  	(tag) =	ssettag $0x2  }
0xa3: {  	s0 =	rddreg [dreg:$0x0];
	s2 =	stileid.u32  }
0xa4: {  	s1 =	rddreg [dreg:$0x1];
	p0 =	sne.s32 s2, $0x0  }
0xa5: {  	s3 =	rddreg [dreg:$0x2];
	[bflag:$0x3] =	sbarrier.arrive $0xFFFF;
	s2 =	simm.s32 @!p0 $0x1C07  }
0xa6: {  	[timem:s3], [sflag:s2] =	dma.local @!p0 [hbm:s0], s1  }
0xa7: {  	s0 =	simm.s32 @!p0 $0x7  }
0xa8: {  	_ =	swait.ge @!p0 [sflag:s0], s1  }
0xa9: {  	s1 =	ssub.s32 @!p0 $0x0, s1;
	[sflag:s0] =	ssyncset.done @!p0 $0x0  }
0xaa: {  	[sflag:s0] =	ssyncadd.s32 @!p0 s1  }
0xab: {  	[bflag:$0x3] =	sbarrier.arrive $0xFFFF  }
0xac: {  	_ =	shalt  }

</sc_bundles>
